<compile_context>
chip_gen: v7x
topology: tpu7x:2x2x1
jax: 0.10.2.dev20260603
libtpu: 0.0.44.dev20260713+nightly
codegen_flags: <defaults>
</compile_context>

<pallas_src>
import functools

import jax
import jax.numpy as jnp
from jax import lax
from jax.experimental import pallas as pl
from jax.experimental.pallas import tpu as pltpu
from jax.experimental.pallas import tpu_sc as plsc

EMB = 512
P = 1024
B = 8
LANES = 16


def _idx_body(z_ref, w_ref, idx_ref):
    z = z_ref[0]
    w = w_ref[...]
    cross = lax.dot_general(z, w, (((0,), (0,)), ((), ())),
                            preferred_element_type=jnp.float32)
    z2 = jnp.sum(z * z, axis=0)
    w2 = jnp.sum(w * w, axis=0)
    dist = (z2[:, None] + w2[None, :]) - 2.0 * cross
    m = jnp.min(dist, axis=1, keepdims=True)
    kio = lax.broadcasted_iota(jnp.int32, (P, EMB), 1)
    idx_ref[0, 0] = jnp.min(jnp.where(dist == m, kio, EMB), axis=1)


def _nearest_idx(z3, emb_weight):
    return pl.pallas_call(
        _idx_body,
        grid=(B,),
        in_specs=[
            pl.BlockSpec((1, EMB, P), lambda b: (b, 0, 0)),
            pl.BlockSpec((EMB, EMB), lambda b: (0, 0)),
        ],
        out_specs=pl.BlockSpec((1, 1, P), lambda b: (b, 0, 0)),
        out_shape=jax.ShapeDtypeStruct((B, 1, P), jnp.int32),
    )(z3, emb_weight)


def _onehot_body(w_ref, idx_ref, z_ref, out_ref, zc_ref):
    idx = idx_ref[0, 0]
    kio = lax.broadcasted_iota(jnp.int32, (P, EMB), 1)
    onehot = (kio == idx[:, None]).astype(jnp.float32)
    out_ref[0] = lax.dot_general(w_ref[...], onehot, (((1,), (1,)), ((), ())),
                                 precision=lax.Precision.HIGHEST,
                                 preferred_element_type=jnp.float32)
    zc_ref[0] = z_ref[0]


def _onehot_gather(emb_weight, idx3, z3):
    return pl.pallas_call(
        _onehot_body,
        grid=(B,),
        in_specs=[
            pl.BlockSpec((EMB, EMB), lambda b: (0, 0)),
            pl.BlockSpec((1, 1, P), lambda b: (b, 0, 0)),
            pl.BlockSpec((1, EMB, P), lambda b: (b, 0, 0)),
        ],
        out_specs=[
            pl.BlockSpec((1, EMB, P), lambda b: (b, 0, 0)),
            pl.BlockSpec((1, EMB, P), lambda b: (b, 0, 0)),
        ],
        out_shape=[
            jax.ShapeDtypeStruct((B, EMB, P), jnp.float32),
            jax.ShapeDtypeStruct((B, EMB, P), jnp.float32),
        ],
    )(emb_weight, idx3, z3)


_MESH = plsc.VectorSubcoreMesh(core_axis_name="c", subcore_axis_name="s",
                               num_cores=2, num_subcores=16)
_NW = _MESH.num_cores * _MESH.num_subcores
_DPW = EMB // _NW


@functools.partial(
    pl.kernel,
    out_type=jax.ShapeDtypeStruct((B, EMB, P), jnp.float32),
    mesh=_MESH,
    scratch_types=[
        pltpu.VMEM((_DPW, EMB), jnp.float32),
        pltpu.VMEM((B, 1, P), jnp.int32),
        pltpu.VMEM((2, _DPW, P), jnp.float32),
        pltpu.SemaphoreType.DMA,
        pltpu.SemaphoreType.DMA,
    ],
    compiler_params=pltpu.CompilerParams(use_tc_tiling_on_sc=False,
                                         needs_layout_passes=False,
                                         disable_bounds_checks=True,
                                         disable_semaphore_checks=True,
                                         skip_device_barrier=True),
)
def _sc_gather(w_hbm, idx_hbm, out_hbm, w_v, idx_v, out_v, sem0, sem1):
    wid = lax.axis_index("s") * _MESH.num_cores + lax.axis_index("c")
    d0 = wid * _DPW
    pltpu.sync_copy(w_hbm.at[pl.ds(d0, _DPW)], w_v)
    pltpu.sync_copy(idx_hbm, idx_v)
    sems = (sem0, sem1)
    pending = [None, None]
    for b in range(1):
        par = b % 2
        if pending[par] is not None:
            pending[par].wait()

        @plsc.parallel_loop(0, P // LANES, unroll=4)
        def chunk(c, b=b, par=par):
            ivec = idx_v[b, 0, pl.ds(c * LANES, LANES)]
            for dl in range(_DPW):
                row = jnp.full((LANES,), dl, jnp.int32)
                out_v[par, dl, pl.ds(c * LANES, LANES)] = plsc.load_gather(
                    w_v, [row, ivec])

        pending[par] = pltpu.make_async_copy(
            out_v.at[par], out_hbm.at[b, pl.ds(d0, _DPW)], sems[par])
        pending[par].start()
    for par in range(2):
        if pending[par] is not None:
            pending[par].wait()


def kernel(x, emb_weight):
    z3 = x.reshape(B, EMB, P)
    idx3 = _nearest_idx(z3, emb_weight)
    q3 = _sc_gather(emb_weight, idx3)
    q4, zc = _onehot_gather(emb_weight, idx3, z3)
    return q3, zc.reshape(x.shape), q4.reshape(x.shape)

# --- scband reference (transcript-rebuilt; emitter-appended) ---
"""Pipeline reference for scband-vq-vae-40810779246797 (READ-ONLY COPY).

The authoritative reference and input builder live on the scoring server;
editing this copy changes nothing except your own understanding.
"""

import jax, jax.numpy as jnp
import numpy as np

EMB_SIZE = 512  # k: both num codes and code dim (NearestEmbed(k, k))


def setup_inputs(seed: int = 0) -> dict:
    key = jax.random.key(seed)
    k1, k2 = jax.random.split(key)
    # encoder/decoder are treated as identity modules; x is the latent code [B, emb_size, H, W]
    x = jax.random.normal(k1, (8, EMB_SIZE, 32, 32), dtype=jnp.float32)
    # NearestEmbed weight: [emb_dim, num_emb] = [512, 512]
    emb_weight = jax.random.normal(k2, (EMB_SIZE, EMB_SIZE), dtype=jnp.float32) * 0.02
    return {"x": x, "emb_weight": emb_weight}


def _nearest_indices(z_e, weight):
    # z_e: [B, D, P], weight: [D, K] -> idx: [B, P]
    z2 = jnp.sum(z_e * z_e, axis=1)                     # [B, P]
    w2 = jnp.sum(weight * weight, axis=0)               # [K]
    cross = jnp.einsum('bdp,dk->bpk', z_e, weight)      # [B, P, K]
    dist = z2[:, :, None] + w2[None, None, :] - 2.0 * cross
    return jnp.argmin(dist, axis=-1)


def reference(x, emb_weight):
    B = x.shape[0]
    code = x  # identity encoder
    z_e = code.reshape(B, EMB_SIZE, -1)                 # [B, D, P]
    idx = _nearest_indices(z_e, emb_weight)             # [B, P]
    q = jnp.transpose(emb_weight[:, idx], (1, 0, 2))    # [B, D, P]
    # weight_sg=True path: straight-through estimator on the input
    z_q = z_e + jax.lax.stop_gradient(q - z_e)
    # emb path (input detached, same forward values)
    emb_out = q
    recon = z_q  # identity decoder
    return recon, z_e.reshape(x.shape), emb_out.reshape(x.shape)

if __name__ == "__main__":
    import jax
    _d = setup_inputs()
    print(jax.jit(kernel)(*tuple(_d.values())))

</pallas_src>

<mosaic_0001>
#map = affine_map<(d0, d1) -> (0, 0)>
#map1 = affine_map<(d0, d1) -> (0, 0, 0)>
module attributes {stable_mosaic.version = 14 : i64} {
  func.func @_sc_gather(%arg0: i32, %arg1: i32, %arg2: memref<512x512xf32, #tpu.memory_space<hbm>>, %arg3: memref<8x1x1024xi32, #tpu.memory_space<hbm>>, %arg4: memref<8x512x1024xf32, #tpu.memory_space<hbm>>, %arg5: memref<16x512xf32, #tpu.memory_space<vmem>>, %arg6: memref<8x1x1024xi32, #tpu.memory_space<vmem>>, %arg7: memref<2x16x1024xf32, #tpu.memory_space<vmem>>, %arg8: memref<!tpu.dma_semaphore, #tpu.memory_space<semaphore_mem>>, %arg9: memref<!tpu.dma_semaphore, #tpu.memory_space<semaphore_mem>>) attributes {dimension_semantics = [#tpu.dimension_semantics<core_parallel>, #tpu.dimension_semantics<subcore_parallel>], iteration_bounds = array<i64: 2, 16>, scalar_prefetch = 0 : i64, scratch_operands = 5 : i64, tpu.core_type = #tpu.core_type<sc_vector_subcore>, window_params = [{transform_indices = #map}, {transform_indices = #map1}, {transform_indices = #map1}]} {
    %mul3A = arith.constant 2 : i32
    %mul3A_0 = arith.muli %arg1, %mul3A : i32
    %add3A = arith.addi %mul3A_0, %arg0 : i32
    %mul3A_1 = arith.constant 16 : i32
    %mul3A_2 = arith.muli %add3A, %mul3A_1 : i32
    "tpu.region"() ({
      %run_scoped3A = tpu.sem_alloc : memref<!tpu.dma_semaphore, #tpu.memory_space<semaphore_mem>>
      %dma_start3A_35 = arith.constant 0 : i32
      %dma_start3A_36 = tpu.memref_slice %arg2[%mul3A_2, %dma_start3A_35] : memref<512x512xf32, #tpu.memory_space<hbm>> -> memref<16x512xf32, #tpu.memory_space<hbm>>
      %dma_start3A_37 = arith.constant 0 : i32
      %dma_start3A_38 = tpu.memref_slice %arg2[%mul3A_2, %dma_start3A_37] : memref<512x512xf32, #tpu.memory_space<hbm>> -> memref<16x512xf32, #tpu.memory_space<hbm>>
      tpu.enqueue_dma source(%dma_start3A_38 : memref<16x512xf32, #tpu.memory_space<hbm>>) target(%arg5 : memref<16x512xf32, #tpu.memory_space<vmem>>) target_semaphore(%run_scoped3A : memref<!tpu.dma_semaphore, #tpu.memory_space<semaphore_mem>>)
      %dma_wait3A_39 = arith.constant 0 : i32
      %dma_wait3A_40 = tpu.memref_slice %arg2[%mul3A_2, %dma_wait3A_39] : memref<512x512xf32, #tpu.memory_space<hbm>> -> memref<16x512xf32, #tpu.memory_space<hbm>>
      %dma_wait3A_41 = arith.constant 0 : i32
      %dma_wait3A_42 = tpu.memref_slice %arg2[%mul3A_2, %dma_wait3A_41] : memref<512x512xf32, #tpu.memory_space<hbm>> -> memref<16x512xf32, #tpu.memory_space<hbm>>
      tpu.wait_dma2 semaphore(%run_scoped3A : memref<!tpu.dma_semaphore, #tpu.memory_space<semaphore_mem>>) src(%dma_wait3A_42 : memref<16x512xf32, #tpu.memory_space<hbm>>) dst(%arg5 : memref<16x512xf32, #tpu.memory_space<vmem>>)
      tpu.yield
    }) : () -> ()
    "tpu.region"() ({
      %run_scoped3A = tpu.sem_alloc : memref<!tpu.dma_semaphore, #tpu.memory_space<semaphore_mem>>
      tpu.enqueue_dma source(%arg3 : memref<8x1x1024xi32, #tpu.memory_space<hbm>>) target(%arg6 : memref<8x1x1024xi32, #tpu.memory_space<vmem>>) target_semaphore(%run_scoped3A : memref<!tpu.dma_semaphore, #tpu.memory_space<semaphore_mem>>)
      tpu.wait_dma2 semaphore(%run_scoped3A : memref<!tpu.dma_semaphore, #tpu.memory_space<semaphore_mem>>) src(%arg3 : memref<8x1x1024xi32, #tpu.memory_space<hbm>>) dst(%arg6 : memref<8x1x1024xi32, #tpu.memory_space<vmem>>)
      tpu.yield
    }) : () -> ()
    %parallel_loop3A = arith.constant 0 : i32
    %parallel_loop3A_3 = arith.constant 64 : i32
    %parallel_loop3A_4 = arith.constant 1 : i32
    scf.for %parallel_loop3A_35 = %parallel_loop3A to %parallel_loop3A_3 step %parallel_loop3A_4  : i32 {
      %parallel_loop3A_36 = arith.constant 16 : i32
      %parallel_loop3A_37 = arith.muli %parallel_loop3A_35, %parallel_loop3A_36 : i32
      %parallel_loop3A_38 = arith.constant 0 : i32
      %parallel_loop3A_39 = arith.constant 0 : i32
      %parallel_loop3A_40 = arith.index_cast %parallel_loop3A_38 : i32 to index
      %parallel_loop3A_41 = arith.index_cast %parallel_loop3A_39 : i32 to index
      %parallel_loop3A_42 = arith.index_cast %parallel_loop3A_37 : i32 to index
      %parallel_loop3A_43 = tpu.vector_load %arg6[%parallel_loop3A_40, %parallel_loop3A_41, %parallel_loop3A_42] {strides = array<i32>} : memref<8x1x1024xi32, #tpu.memory_space<vmem>>, vector<16xi32>,
      %parallel_loop3A_44 = arith.constant 0 : i32
      %parallel_loop3A_45 = vector.broadcast %parallel_loop3A_44 : i32 to vector<16xi32>
      %parallel_loop3A_46 = tpu.vector_load_idx %arg5[%parallel_loop3A_45, %parallel_loop3A_43] : memref<16x512xf32, #tpu.memory_space<vmem>>[vector<16xi32>, vector<16xi32>], vector<16xf32>,
      %parallel_loop3A_47 = arith.constant 16 : i32
      %parallel_loop3A_48 = arith.muli %parallel_loop3A_35, %parallel_loop3A_47 : i32
      %parallel_loop3A_49 = arith.constant 0 : i32
      %parallel_loop3A_50 = arith.constant 0 : i32
      %parallel_loop3A_51 = arith.index_cast %parallel_loop3A_49 : i32 to index
      %parallel_loop3A_52 = arith.index_cast %parallel_loop3A_50 : i32 to index
      %parallel_loop3A_53 = arith.index_cast %parallel_loop3A_48 : i32 to index
      %parallel_loop3A_54 = tpu.vector_load %arg7[%parallel_loop3A_51, %parallel_loop3A_52, %parallel_loop3A_53] {strides = array<i32>} : memref<2x16x1024xf32, #tpu.memory_space<vmem>>, vector<16xf32>,
      tpu.vector_store %arg7[%parallel_loop3A_51, %parallel_loop3A_52, %parallel_loop3A_53], %parallel_loop3A_46 {strides = array<i32>} : memref<2x16x1024xf32, #tpu.memory_space<vmem>>, vector<16xf32>,
      %parallel_loop3A_55 = arith.constant 1 : i32
      %parallel_loop3A_56 = vector.broadcast %parallel_loop3A_55 : i32 to vector<16xi32>
      %parallel_loop3A_57 = tpu.vector_load_idx %arg5[%parallel_loop3A_56, %parallel_loop3A_43] : memref<16x512xf32, #tpu.memory_space<vmem>>[vector<16xi32>, vector<16xi32>], vector<16xf32>,
      %parallel_loop3A_58 = arith.constant 16 : i32
      %parallel_loop3A_59 = arith.muli %parallel_loop3A_35, %parallel_loop3A_58 : i32
      %parallel_loop3A_60 = arith.constant 0 : i32
      %parallel_loop3A_61 = arith.constant 1 : i32
      %parallel_loop3A_62 = arith.index_cast %parallel_loop3A_60 : i32 to index
      %parallel_loop3A_63 = arith.index_cast %parallel_loop3A_61 : i32 to index
      %parallel_loop3A_64 = arith.index_cast %parallel_loop3A_59 : i32 to index
      %parallel_loop3A_65 = tpu.vector_load %arg7[%parallel_loop3A_62, %parallel_loop3A_63, %parallel_loop3A_64] {strides = array<i32>} : memref<2x16x1024xf32, #tpu.memory_space<vmem>>, vector<16xf32>,
      tpu.vector_store %arg7[%parallel_loop3A_62, %parallel_loop3A_63, %parallel_loop3A_64], %parallel_loop3A_57 {strides = array<i32>} : memref<2x16x1024xf32, #tpu.memory_space<vmem>>, vector<16xf32>,
      %parallel_loop3A_66 = arith.constant 2 : i32
      %parallel_loop3A_67 = vector.broadcast %parallel_loop3A_66 : i32 to vector<16xi32>
      %parallel_loop3A_68 = tpu.vector_load_idx %arg5[%parallel_loop3A_67, %parallel_loop3A_43] : memref<16x512xf32, #tpu.memory_space<vmem>>[vector<16xi32>, vector<16xi32>], vector<16xf32>,
      %parallel_loop3A_69 = arith.constant 16 : i32
      %parallel_loop3A_70 = arith.muli %parallel_loop3A_35, %parallel_loop3A_69 : i32
      %parallel_loop3A_71 = arith.constant 0 : i32
      %parallel_loop3A_72 = arith.constant 2 : i32
      %parallel_loop3A_73 = arith.index_cast %parallel_loop3A_71 : i32 to index
      %parallel_loop3A_74 = arith.index_cast %parallel_loop3A_72 : i32 to index
      %parallel_loop3A_75 = arith.index_cast %parallel_loop3A_70 : i32 to index
      %parallel_loop3A_76 = tpu.vector_load %arg7[%parallel_loop3A_73, %parallel_loop3A_74, %parallel_loop3A_75] {strides = array<i32>} : memref<2x16x1024xf32, #tpu.memory_space<vmem>>, vector<16xf32>,
      tpu.vector_store %arg7[%parallel_loop3A_73, %parallel_loop3A_74, %parallel_loop3A_75], %parallel_loop3A_68 {strides = array<i32>} : memref<2x16x1024xf32, #tpu.memory_space<vmem>>, vector<16xf32>,
      %parallel_loop3A_77 = arith.constant 3 : i32
      %parallel_loop3A_78 = vector.broadcast %parallel_loop3A_77 : i32 to vector<16xi32>
      %parallel_loop3A_79 = tpu.vector_load_idx %arg5[%parallel_loop3A_78, %parallel_loop3A_43] : memref<16x512xf32, #tpu.memory_space<vmem>>[vector<16xi32>, vector<16xi32>], vector<16xf32>,
      %parallel_loop3A_80 = arith.constant 16 : i32
      %parallel_loop3A_81 = arith.muli %parallel_loop3A_35, %parallel_loop3A_80 : i32
      %parallel_loop3A_82 = arith.constant 0 : i32
      %parallel_loop3A_83 = arith.constant 3 : i32
      %parallel_loop3A_84 = arith.index_cast %parallel_loop3A_82 : i32 to index
      %parallel_loop3A_85 = arith.index_cast %parallel_loop3A_83 : i32 to index
      %parallel_loop3A_86 = arith.index_cast %parallel_loop3A_81 : i32 to index
      %parallel_loop3A_87 = tpu.vector_load %arg7[%parallel_loop3A_84, %parallel_loop3A_85, %parallel_loop3A_86] {strides = array<i32>} : memref<2x16x1024xf32, #tpu.memory_space<vmem>>, vector<16xf32>,
      tpu.vector_store %arg7[%parallel_loop3A_84, %parallel_loop3A_85, %parallel_loop3A_86], %parallel_loop3A_79 {strides = array<i32>} : memref<2x16x1024xf32, #tpu.memory_space<vmem>>, vector<16xf32>,
      %parallel_loop3A_88 = arith.constant 4 : i32
      %parallel_loop3A_89 = vector.broadcast %parallel_loop3A_88 : i32 to vector<16xi32>
      %parallel_loop3A_90 = tpu.vector_load_idx %arg5[%parallel_loop3A_89, %parallel_loop3A_43] : memref<16x512xf32, #tpu.memory_space<vmem>>[vector<16xi32>, vector<16xi32>], vector<16xf32>,
      %parallel_loop3A_91 = arith.constant 16 : i32
      %parallel_loop3A_92 = arith.muli %parallel_loop3A_35, %parallel_loop3A_91 : i32
      %parallel_loop3A_93 = arith.constant 0 : i32
      %parallel_loop3A_94 = arith.constant 4 : i32
      %parallel_loop3A_95 = arith.index_cast %parallel_loop3A_93 : i32 to index
      %parallel_loop3A_96 = arith.index_cast %parallel_loop3A_94 : i32 to index
      %parallel_loop3A_97 = arith.index_cast %parallel_loop3A_92 : i32 to index
      %parallel_loop3A_98 = tpu.vector_load %arg7[%parallel_loop3A_95, %parallel_loop3A_96, %parallel_loop3A_97] {strides = array<i32>} : memref<2x16x1024xf32, #tpu.memory_space<vmem>>, vector<16xf32>,
      tpu.vector_store %arg7[%parallel_loop3A_95, %parallel_loop3A_96, %parallel_loop3A_97], %parallel_loop3A_90 {strides = array<i32>} : memref<2x16x1024xf32, #tpu.memory_space<vmem>>, vector<16xf32>,
      %parallel_loop3A_99 = arith.constant 5 : i32
      %parallel_loop3A_100 = vector.broadcast %parallel_loop3A_99 : i32 to vector<16xi32>
      %parallel_loop3A_101 = tpu.vector_load_idx %arg5[%parallel_loop3A_100, %parallel_loop3A_43] : memref<16x512xf32, #tpu.memory_space<vmem>>[vector<16xi32>, vector<16xi32>], vector<16xf32>,
      %parallel_loop3A_102 = arith.constant 16 : i32
      %parallel_loop3A_103 = arith.muli %parallel_loop3A_35, %parallel_loop3A_102 : i32
      %parallel_loop3A_104 = arith.constant 0 : i32
      %parallel_loop3A_105 = arith.constant 5 : i32
      %parallel_loop3A_106 = arith.index_cast %parallel_loop3A_104 : i32 to index
      %parallel_loop3A_107 = arith.index_cast %parallel_loop3A_105 : i32 to index
      %parallel_loop3A_108 = arith.index_cast %parallel_loop3A_103 : i32 to index
      %parallel_loop3A_109 = tpu.vector_load %arg7[%parallel_loop3A_106, %parallel_loop3A_107, %parallel_loop3A_108] {strides = array<i32>} : memref<2x16x1024xf32, #tpu.memory_space<vmem>>, vector<16xf32>,
      tpu.vector_store %arg7[%parallel_loop3A_106, %parallel_loop3A_107, %parallel_loop3A_108], %parallel_loop3A_101 {strides = array<i32>} : memref<2x16x1024xf32, #tpu.memory_space<vmem>>, vector<16xf32>,
      %parallel_loop3A_110 = arith.constant 6 : i32
      %parallel_loop3A_111 = vector.broadcast %parallel_loop3A_110 : i32 to vector<16xi32>
      %parallel_loop3A_112 = tpu.vector_load_idx %arg5[%parallel_loop3A_111, %parallel_loop3A_43] : memref<16x512xf32, #tpu.memory_space<vmem>>[vector<16xi32>, vector<16xi32>], vector<16xf32>,
      %parallel_loop3A_113 = arith.constant 16 : i32
      %parallel_loop3A_114 = arith.muli %parallel_loop3A_35, %parallel_loop3A_113 : i32
      %parallel_loop3A_115 = arith.constant 0 : i32
      %parallel_loop3A_116 = arith.constant 6 : i32
      %parallel_loop3A_117 = arith.index_cast %parallel_loop3A_115 : i32 to index
      %parallel_loop3A_118 = arith.index_cast %parallel_loop3A_116 : i32 to index
      %parallel_loop3A_119 = arith.index_cast %parallel_loop3A_114 : i32 to index
      %parallel_loop3A_120 = tpu.vector_load %arg7[%parallel_loop3A_117, %parallel_loop3A_118, %parallel_loop3A_119] {strides = array<i32>} : memref<2x16x1024xf32, #tpu.memory_space<vmem>>, vector<16xf32>,
      tpu.vector_store %arg7[%parallel_loop3A_117, %parallel_loop3A_118, %parallel_loop3A_119], %parallel_loop3A_112 {strides = array<i32>} : memref<2x16x1024xf32, #tpu.memory_space<vmem>>, vector<16xf32>,
      %parallel_loop3A_121 = arith.constant 7 : i32
      %parallel_loop3A_122 = vector.broadcast %parallel_loop3A_121 : i32 to vector<16xi32>
      %parallel_loop3A_123 = tpu.vector_load_idx %arg5[%parallel_loop3A_122, %parallel_loop3A_43] : memref<16x512xf32, #tpu.memory_space<vmem>>[vector<16xi32>, vector<16xi32>], vector<16xf32>,
      %parallel_loop3A_124 = arith.constant 16 : i32
      %parallel_loop3A_125 = arith.muli %parallel_loop3A_35, %parallel_loop3A_124 : i32
      %parallel_loop3A_126 = arith.constant 0 : i32
      %parallel_loop3A_127 = arith.constant 7 : i32
      %parallel_loop3A_128 = arith.index_cast %parallel_loop3A_126 : i32 to index
      %parallel_loop3A_129 = arith.index_cast %parallel_loop3A_127 : i32 to index
      %parallel_loop3A_130 = arith.index_cast %parallel_loop3A_125 : i32 to index
      %parallel_loop3A_131 = tpu.vector_load %arg7[%parallel_loop3A_128, %parallel_loop3A_129, %parallel_loop3A_130] {strides = array<i32>} : memref<2x16x1024xf32, #tpu.memory_space<vmem>>, vector<16xf32>,
      tpu.vector_store %arg7[%parallel_loop3A_128, %parallel_loop3A_129, %parallel_loop3A_130], %parallel_loop3A_123 {strides = array<i32>} : memref<2x16x1024xf32, #tpu.memory_space<vmem>>, vector<16xf32>,
      %parallel_loop3A_132 = arith.constant 8 : i32
      %parallel_loop3A_133 = vector.broadcast %parallel_loop3A_132 : i32 to vector<16xi32>
      %parallel_loop3A_134 = tpu.vector_load_idx %arg5[%parallel_loop3A_133, %parallel_loop3A_43] : memref<16x512xf32, #tpu.memory_space<vmem>>[vector<16xi32>, vector<16xi32>], vector<16xf32>,
      %parallel_loop3A_135 = arith.constant 16 : i32
      %parallel_loop3A_136 = arith.muli %parallel_loop3A_35, %parallel_loop3A_135 : i32
      %parallel_loop3A_137 = arith.constant 0 : i32
      %parallel_loop3A_138 = arith.constant 8 : i32
      %parallel_loop3A_139 = arith.index_cast %parallel_loop3A_137 : i32 to index
      %parallel_loop3A_140 = arith.index_cast %parallel_loop3A_138 : i32 to index
      %parallel_loop3A_141 = arith.index_cast %parallel_loop3A_136 : i32 to index
      %parallel_loop3A_142 = tpu.vector_load %arg7[%parallel_loop3A_139, %parallel_loop3A_140, %parallel_loop3A_141] {strides = array<i32>} : memref<2x16x1024xf32, #tpu.memory_space<vmem>>, vector<16xf32>,
      tpu.vector_store %arg7[%parallel_loop3A_139, %parallel_loop3A_140, %parallel_loop3A_141], %parallel_loop3A_134 {strides = array<i32>} : memref<2x16x1024xf32, #tpu.memory_space<vmem>>, vector<16xf32>,
      %parallel_loop3A_143 = arith.constant 9 : i32
      %parallel_loop3A_144 = vector.broadcast %parallel_loop3A_143 : i32 to vector<16xi32>
      %parallel_loop3A_145 = tpu.vector_load_idx %arg5[%parallel_loop3A_144, %parallel_loop3A_43] : memref<16x512xf32, #tpu.memory_space<vmem>>[vector<16xi32>, vector<16xi32>], vector<16xf32>,
      %parallel_loop3A_146 = arith.constant 16 : i32
      %parallel_loop3A_147 = arith.muli %parallel_loop3A_35, %parallel_loop3A_146 : i32
      %parallel_loop3A_148 = arith.constant 0 : i32
      %parallel_loop3A_149 = arith.constant 9 : i32
      %parallel_loop3A_150 = arith.index_cast %parallel_loop3A_148 : i32 to index
      %parallel_loop3A_151 = arith.index_cast %parallel_loop3A_149 : i32 to index
      %parallel_loop3A_152 = arith.index_cast %parallel_loop3A_147 : i32 to index
      %parallel_loop3A_153 = tpu.vector_load %arg7[%parallel_loop3A_150, %parallel_loop3A_151, %parallel_loop3A_152] {strides = array<i32>} : memref<2x16x1024xf32, #tpu.memory_space<vmem>>, vector<16xf32>,
      tpu.vector_store %arg7[%parallel_loop3A_150, %parallel_loop3A_151, %parallel_loop3A_152], %parallel_loop3A_145 {strides = array<i32>} : memref<2x16x1024xf32, #tpu.memory_space<vmem>>, vector<16xf32>,
      %parallel_loop3A_154 = arith.constant 10 : i32
      %parallel_loop3A_155 = vector.broadcast %parallel_loop3A_154 : i32 to vector<16xi32>
      %parallel_loop3A_156 = tpu.vector_load_idx %arg5[%parallel_loop3A_155, %parallel_loop3A_43] : memref<16x512xf32, #tpu.memory_space<vmem>>[vector<16xi32>, vector<16xi32>], vector<16xf32>,
      %parallel_loop3A_157 = arith.constant 16 : i32
      %parallel_loop3A_158 = arith.muli %parallel_loop3A_35, %parallel_loop3A_157 : i32
      %parallel_loop3A_159 = arith.constant 0 : i32
      %parallel_loop3A_160 = arith.constant 10 : i32
      %parallel_loop3A_161 = arith.index_cast %parallel_loop3A_159 : i32 to index
      %parallel_loop3A_162 = arith.index_cast %parallel_loop3A_160 : i32 to index
      %parallel_loop3A_163 = arith.index_cast %parallel_loop3A_158 : i32 to index
      %parallel_loop3A_164 = tpu.vector_load %arg7[%parallel_loop3A_161, %parallel_loop3A_162, %parallel_loop3A_163] {strides = array<i32>} : memref<2x16x1024xf32, #tpu.memory_space<vmem>>, vector<16xf32>,
      tpu.vector_store %arg7[%parallel_loop3A_161, %parallel_loop3A_162, %parallel_loop3A_163], %parallel_loop3A_156 {strides = array<i32>} : memref<2x16x1024xf32, #tpu.memory_space<vmem>>, vector<16xf32>,
      %parallel_loop3A_165 = arith.constant 11 : i32
      %parallel_loop3A_166 = vector.broadcast %parallel_loop3A_165 : i32 to vector<16xi32>
      %parallel_loop3A_167 = tpu.vector_load_idx %arg5[%parallel_loop3A_166, %parallel_loop3A_43] : memref<16x512xf32, #tpu.memory_space<vmem>>[vector<16xi32>, vector<16xi32>], vector<16xf32>,
      %parallel_loop3A_168 = arith.constant 16 : i32
      %parallel_loop3A_169 = arith.muli %parallel_loop3A_35, %parallel_loop3A_168 : i32
      %parallel_loop3A_170 = arith.constant 0 : i32
      %parallel_loop3A_171 = arith.constant 11 : i32
      %parallel_loop3A_172 = arith.index_cast %parallel_loop3A_170 : i32 to index
      %parallel_loop3A_173 = arith.index_cast %parallel_loop3A_171 : i32 to index
      %parallel_loop3A_174 = arith.index_cast %parallel_loop3A_169 : i32 to index
      %parallel_loop3A_175 = tpu.vector_load %arg7[%parallel_loop3A_172, %parallel_loop3A_173, %parallel_loop3A_174] {strides = array<i32>} : memref<2x16x1024xf32, #tpu.memory_space<vmem>>, vector<16xf32>,
      tpu.vector_store %arg7[%parallel_loop3A_172, %parallel_loop3A_173, %parallel_loop3A_174], %parallel_loop3A_167 {strides = array<i32>} : memref<2x16x1024xf32, #tpu.memory_space<vmem>>, vector<16xf32>,
      %parallel_loop3A_176 = arith.constant 12 : i32
      %parallel_loop3A_177 = vector.broadcast %parallel_loop3A_176 : i32 to vector<16xi32>
      %parallel_loop3A_178 = tpu.vector_load_idx %arg5[%parallel_loop3A_177, %parallel_loop3A_43] : memref<16x512xf32, #tpu.memory_space<vmem>>[vector<16xi32>, vector<16xi32>], vector<16xf32>,
      %parallel_loop3A_179 = arith.constant 16 : i32
      %parallel_loop3A_180 = arith.muli %parallel_loop3A_35, %parallel_loop3A_179 : i32
      %parallel_loop3A_181 = arith.constant 0 : i32
      %parallel_loop3A_182 = arith.constant 12 : i32
      %parallel_loop3A_183 = arith.index_cast %parallel_loop3A_181 : i32 to index
      %parallel_loop3A_184 = arith.index_cast %parallel_loop3A_182 : i32 to index
      %parallel_loop3A_185 = arith.index_cast %parallel_loop3A_180 : i32 to index
      %parallel_loop3A_186 = tpu.vector_load %arg7[%parallel_loop3A_183, %parallel_loop3A_184, %parallel_loop3A_185] {strides = array<i32>} : memref<2x16x1024xf32, #tpu.memory_space<vmem>>, vector<16xf32>,
      tpu.vector_store %arg7[%parallel_loop3A_183, %parallel_loop3A_184, %parallel_loop3A_185], %parallel_loop3A_178 {strides = array<i32>} : memref<2x16x1024xf32, #tpu.memory_space<vmem>>, vector<16xf32>,
      %parallel_loop3A_187 = arith.constant 13 : i32
      %parallel_loop3A_188 = vector.broadcast %parallel_loop3A_187 : i32 to vector<16xi32>
      %parallel_loop3A_189 = tpu.vector_load_idx %arg5[%parallel_loop3A_188, %parallel_loop3A_43] : memref<16x512xf32, #tpu.memory_space<vmem>>[vector<16xi32>, vector<16xi32>], vector<16xf32>,
      %parallel_loop3A_190 = arith.constant 16 : i32
      %parallel_loop3A_191 = arith.muli %parallel_loop3A_35, %parallel_loop3A_190 : i32
      %parallel_loop3A_192 = arith.constant 0 : i32
      %parallel_loop3A_193 = arith.constant 13 : i32
      %parallel_loop3A_194 = arith.index_cast %parallel_loop3A_192 : i32 to index
      %parallel_loop3A_195 = arith.index_cast %parallel_loop3A_193 : i32 to index
      %parallel_loop3A_196 = arith.index_cast %parallel_loop3A_191 : i32 to index
      %parallel_loop3A_197 = tpu.vector_load %arg7[%parallel_loop3A_194, %parallel_loop3A_195, %parallel_loop3A_196] {strides = array<i32>} : memref<2x16x1024xf32, #tpu.memory_space<vmem>>, vector<16xf32>,
      tpu.vector_store %arg7[%parallel_loop3A_194, %parallel_loop3A_195, %parallel_loop3A_196], %parallel_loop3A_189 {strides = array<i32>} : memref<2x16x1024xf32, #tpu.memory_space<vmem>>, vector<16xf32>,
      %parallel_loop3A_198 = arith.constant 14 : i32
      %parallel_loop3A_199 = vector.broadcast %parallel_loop3A_198 : i32 to vector<16xi32>
      %parallel_loop3A_200 = tpu.vector_load_idx %arg5[%parallel_loop3A_199, %parallel_loop3A_43] : memref<16x512xf32, #tpu.memory_space<vmem>>[vector<16xi32>, vector<16xi32>], vector<16xf32>,
      %parallel_loop3A_201 = arith.constant 16 : i32
      %parallel_loop3A_202 = arith.muli %parallel_loop3A_35, %parallel_loop3A_201 : i32
      %parallel_loop3A_203 = arith.constant 0 : i32
      %parallel_loop3A_204 = arith.constant 14 : i32
      %parallel_loop3A_205 = arith.index_cast %parallel_loop3A_203 : i32 to index
      %parallel_loop3A_206 = arith.index_cast %parallel_loop3A_204 : i32 to index
      %parallel_loop3A_207 = arith.index_cast %parallel_loop3A_202 : i32 to index
      %parallel_loop3A_208 = tpu.vector_load %arg7[%parallel_loop3A_205, %parallel_loop3A_206, %parallel_loop3A_207] {strides = array<i32>} : memref<2x16x1024xf32, #tpu.memory_space<vmem>>, vector<16xf32>,
      tpu.vector_store %arg7[%parallel_loop3A_205, %parallel_loop3A_206, %parallel_loop3A_207], %parallel_loop3A_200 {strides = array<i32>} : memref<2x16x1024xf32, #tpu.memory_space<vmem>>, vector<16xf32>,
      %parallel_loop3A_209 = arith.constant 15 : i32
      %parallel_loop3A_210 = vector.broadcast %parallel_loop3A_209 : i32 to vector<16xi32>
      %parallel_loop3A_211 = tpu.vector_load_idx %arg5[%parallel_loop3A_210, %parallel_loop3A_43] : memref<16x512xf32, #tpu.memory_space<vmem>>[vector<16xi32>, vector<16xi32>], vector<16xf32>,
      %parallel_loop3A_212 = arith.constant 16 : i32
      %parallel_loop3A_213 = arith.muli %parallel_loop3A_35, %parallel_loop3A_212 : i32
      %parallel_loop3A_214 = arith.constant 0 : i32
      %parallel_loop3A_215 = arith.constant 15 : i32
      %parallel_loop3A_216 = arith.index_cast %parallel_loop3A_214 : i32 to index
      %parallel_loop3A_217 = arith.index_cast %parallel_loop3A_215 : i32 to index
      %parallel_loop3A_218 = arith.index_cast %parallel_loop3A_213 : i32 to index
      %parallel_loop3A_219 = tpu.vector_load %arg7[%parallel_loop3A_216, %parallel_loop3A_217, %parallel_loop3A_218] {strides = array<i32>} : memref<2x16x1024xf32, #tpu.memory_space<vmem>>, vector<16xf32>,
      tpu.vector_store %arg7[%parallel_loop3A_216, %parallel_loop3A_217, %parallel_loop3A_218], %parallel_loop3A_211 {strides = array<i32>} : memref<2x16x1024xf32, #tpu.memory_space<vmem>>, vector<16xf32>,
    } {sc.loop_unroll_factor = 4 : i64, sc.parallel_access}
    %dma_start3A = arith.constant 0 : i32
    %dma_start3A_5 = arith.constant 0 : i32
    %dma_start3A_6 = arith.constant 0 : i32
    %dma_start3A_7 = arith.constant 0 : i32
    %dma_start3A_8 = tpu.memref_slice %arg7[%dma_start3A, %dma_start3A_6, %dma_start3A_7] : memref<2x16x1024xf32, #tpu.memory_space<vmem>> -> memref<1x16x1024xf32, #tpu.memory_space<vmem>>
    %dma_start3A_9 = tpu.memref_squeeze %dma_start3A_8 : memref<1x16x1024xf32, #tpu.memory_space<vmem>> -> memref<16x1024xf32, #tpu.memory_space<vmem>>
    %dma_start3A_10 = arith.constant 0 : i32
    %dma_start3A_11 = tpu.memref_slice %arg4[%dma_start3A_5, %mul3A_2, %dma_start3A_10] : memref<8x512x1024xf32, #tpu.memory_space<hbm>> -> memref<1x16x1024xf32, #tpu.memory_space<hbm>>
    %dma_start3A_12 = tpu.memref_squeeze %dma_start3A_11 : memref<1x16x1024xf32, #tpu.memory_space<hbm>> -> memref<16x1024xf32, #tpu.memory_space<hbm>>
    %dma_start3A_13 = arith.constant 0 : i32
    %dma_start3A_14 = tpu.memref_slice %arg4[%dma_start3A_5, %mul3A_2, %dma_start3A_13] : memref<8x512x1024xf32, #tpu.memory_space<hbm>> -> memref<1x16x1024xf32, #tpu.memory_space<hbm>>
    %dma_start3A_15 = tpu.memref_squeeze %dma_start3A_14 : memref<1x16x1024xf32, #tpu.memory_space<hbm>> -> memref<16x1024xf32, #tpu.memory_space<hbm>>
    %dma_start3A_16 = arith.constant 0 : i32
    %dma_start3A_17 = arith.constant 0 : i32
    %dma_start3A_18 = tpu.memref_slice %arg7[%dma_start3A, %dma_start3A_16, %dma_start3A_17] : memref<2x16x1024xf32, #tpu.memory_space<vmem>> -> memref<1x16x1024xf32, #tpu.memory_space<vmem>>
    %dma_start3A_19 = tpu.memref_squeeze %dma_start3A_18 : memref<1x16x1024xf32, #tpu.memory_space<vmem>> -> memref<16x1024xf32, #tpu.memory_space<vmem>>
    tpu.enqueue_dma source(%dma_start3A_19 : memref<16x1024xf32, #tpu.memory_space<vmem>>) target(%dma_start3A_15 : memref<16x1024xf32, #tpu.memory_space<hbm>>) target_semaphore(%arg8 : memref<!tpu.dma_semaphore, #tpu.memory_space<semaphore_mem>>)
    %dma_wait3A = arith.constant 0 : i32
    %dma_wait3A_20 = arith.constant 0 : i32
    %dma_wait3A_21 = arith.constant 0 : i32
    %dma_wait3A_22 = arith.constant 0 : i32
    %dma_wait3A_23 = tpu.memref_slice %arg7[%dma_wait3A, %dma_wait3A_21, %dma_wait3A_22] : memref<2x16x1024xf32, #tpu.memory_space<vmem>> -> memref<1x16x1024xf32, #tpu.memory_space<vmem>>
    %dma_wait3A_24 = tpu.memref_squeeze %dma_wait3A_23 : memref<1x16x1024xf32, #tpu.memory_space<vmem>> -> memref<16x1024xf32, #tpu.memory_space<vmem>>
    %dma_wait3A_25 = arith.constant 0 : i32
    %dma_wait3A_26 = tpu.memref_slice %arg4[%dma_wait3A_20, %mul3A_2, %dma_wait3A_25] : memref<8x512x1024xf32, #tpu.memory_space<hbm>> -> memref<1x16x1024xf32, #tpu.memory_space<hbm>>
    %dma_wait3A_27 = tpu.memref_squeeze %dma_wait3A_26 : memref<1x16x1024xf32, #tpu.memory_space<hbm>> -> memref<16x1024xf32, #tpu.memory_space<hbm>>
    %dma_wait3A_28 = arith.constant 0 : i32
    %dma_wait3A_29 = tpu.memref_slice %arg4[%dma_wait3A_20, %mul3A_2, %dma_wait3A_28] : memref<8x512x1024xf32, #tpu.memory_space<hbm>> -> memref<1x16x1024xf32, #tpu.memory_space<hbm>>
    %dma_wait3A_30 = tpu.memref_squeeze %dma_wait3A_29 : memref<1x16x1024xf32, #tpu.memory_space<hbm>> -> memref<16x1024xf32, #tpu.memory_space<hbm>>
    %dma_wait3A_31 = arith.constant 0 : i32
    %dma_wait3A_32 = arith.constant 0 : i32
    %dma_wait3A_33 = tpu.memref_slice %arg7[%dma_wait3A, %dma_wait3A_31, %dma_wait3A_32] : memref<2x16x1024xf32, #tpu.memory_space<vmem>> -> memref<1x16x1024xf32, #tpu.memory_space<vmem>>
    %dma_wait3A_34 = tpu.memref_squeeze %dma_wait3A_33 : memref<1x16x1024xf32, #tpu.memory_space<vmem>> -> memref<16x1024xf32, #tpu.memory_space<vmem>>
    tpu.wait_dma2 semaphore(%arg8 : memref<!tpu.dma_semaphore, #tpu.memory_space<semaphore_mem>>) src(%dma_wait3A_34 : memref<16x1024xf32, #tpu.memory_space<vmem>>) dst(%dma_wait3A_30 : memref<16x1024xf32, #tpu.memory_space<hbm>>)
    return
  }
}

module attributes {stable_mosaic.version = 14 : i64} {
  func.func @_idx_body(%arg0: i32, %arg1: memref<1x512x1024xf32, #tpu.memory_space<vmem>>, %arg2: memref<512x512xf32, #tpu.memory_space<vmem>>, %arg3: memref<1x1x1024xi32, #tpu.memory_space<vmem>>) attributes {dimension_semantics = [#tpu.dimension_semantics<arbitrary>], iteration_bounds = array<i64: 8>, scalar_prefetch = 0 : i64, scratch_operands = 0 : i64, tpu.core_type = #tpu.core_type<tc>, window_params = [{transform_indices = @transform_0, window_bounds = array<i64: 1, 512, 1024>}, {pipeline_mode = #tpu.pipeline_mode<synchronous>, transform_indices = @transform_1, window_bounds = array<i64: 512, 512>}, {transform_indices = @transform_2, window_bounds = array<i64: 1, 1, 1024>}]} {
    %get3A = arith.constant 0 : index
    %get3A_0 = arith.constant 0 : index
    %get3A_1 = arith.constant 0 : index
    %get3A_2 = vector.load %arg1[%get3A, %get3A_0, %get3A_1] : memref<1x512x1024xf32, #tpu.memory_space<vmem>>, vector<1x512x1024xf32>
    %get3A_3 = vector.shape_cast %get3A_2 : vector<1x512x1024xf32> to vector<512x1024xf32>
    %get3A_4 = arith.constant 0 : index
    %get3A_5 = arith.constant 0 : index
    %get3A_6 = vector.load %arg2[%get3A_4, %get3A_5] : memref<512x512xf32, #tpu.memory_space<vmem>>, vector<512x512xf32>
    %dot_general3A = arith.constant dense<0.000000e+00> : vector<1024x512xf32>
    %dot_general3A_7 = tpu.matmul %get3A_3, %get3A_6, %dot_general3A {dimension_numbers = #tpu.dot_dimension_numbers<[0], [0], [1], [1], [0, 1, 1, 1], [], []>, transpose_lhs_hint = false} : vector<512x1024xf32>, vector<512x512xf32>, vector<1024x512xf32> -> vector<1024x512xf32>
    %mul3A = arith.mulf %get3A_3, %get3A_3 : vector<512x1024xf32>
    %reduce_sum3A = arith.constant dense<0.000000e+00> : vector<1024xf32>
    %reduce_sum3A_8 = vector.multi_reduction <add>, %mul3A, %reduce_sum3A [0] : vector<512x1024xf32> to vector<1024xf32>
    %mul3A_9 = arith.mulf %get3A_6, %get3A_6 : vector<512x512xf32>
    %reduce_sum3A_10 = arith.constant dense<0.000000e+00> : vector<512xf32>
    %reduce_sum3A_11 = vector.multi_reduction <add>, %mul3A_9, %reduce_sum3A_10 [0] : vector<512x512xf32> to vector<512xf32>
    %broadcast_in_dim3A = vector.shape_cast %reduce_sum3A_8 : vector<1024xf32> to vector<1024x1xf32>
    %broadcast_in_dim3A_12 = vector.shape_cast %reduce_sum3A_11 : vector<512xf32> to vector<1x512xf32>
    %add3A = vector.broadcast %broadcast_in_dim3A : vector<1024x1xf32> to vector<1024x512xf32>
    %add3A_13 = vector.broadcast %broadcast_in_dim3A_12 : vector<1x512xf32> to vector<1024x512xf32>
    %add3A_14 = arith.addf %add3A, %add3A_13 : vector<1024x512xf32>
    %mul3A_15 = arith.constant 2.000000e+00 : f32
    %mul3A_16 = vector.broadcast %mul3A_15 : f32 to vector<1024x512xf32>
    %mul3A_17 = arith.mulf %mul3A_16, %dot_general3A_7 : vector<1024x512xf32>
    %sub3A = arith.subf %add3A_14, %mul3A_17 : vector<1024x512xf32>
    %reduce_min3A = arith.constant dense<0x7F800000> : vector<1024xf32>
    %reduce_min3A_18 = vector.multi_reduction <minimumf>, %sub3A, %reduce_min3A [1] : vector<1024x512xf32> to vector<1024xf32>
    %broadcast_in_dim3A_19 = vector.shape_cast %reduce_min3A_18 : vector<1024xf32> to vector<1024x1xf32>
    %iota3A = tpu.iota {dimensions = array<i32: 1>} : vector<1024x512xi32>
    %eq3A = vector.broadcast %broadcast_in_dim3A_19 : vector<1024x1xf32> to vector<1024x512xf32>
    %eq3A_20 = arith.cmpf oeq, %sub3A, %eq3A : vector<1024x512xf32>
    %jit3A = arith.constant 512 : i32
    %broadcast_in_dim3A_21 = vector.broadcast %jit3A : i32 to vector<1024x512xi32>
    %select_n3A = arith.select %eq3A_20, %iota3A, %broadcast_in_dim3A_21 : vector<1024x512xi1>, vector<1024x512xi32>
    %reduce_min3A_22 = arith.constant dense<2147483647> : vector<1024xi32>
    %reduce_min3A_23 = vector.multi_reduction <minsi>, %select_n3A, %reduce_min3A_22 [1] : vector<1024x512xi32> to vector<1024xi32>
    %swap3A = arith.constant 0 : index
    %swap3A_24 = arith.constant 0 : index
    %swap3A_25 = arith.constant 0 : index
    %swap3A_26 = vector.load %arg3[%swap3A, %swap3A_24, %swap3A_25] : memref<1x1x1024xi32, #tpu.memory_space<vmem>>, vector<1x1x1024xi32>
    %swap3A_27 = vector.shape_cast %swap3A_26 : vector<1x1x1024xi32> to vector<1024xi32>
    %swap3A_28 = vector.shape_cast %reduce_min3A_23 : vector<1024xi32> to vector<1x1x1024xi32>
    tpu.vector_store %arg3[%swap3A, %swap3A_24, %swap3A_25], %swap3A_28 {strides = array<i32>} : memref<1x1x1024xi32, #tpu.memory_space<vmem>>, vector<1x1x1024xi32>,
    return
  }
  func.func @transform_0(%arg0: i32) -> (i32, i32, i32) {
    %c0_i32 = arith.constant 0 : i32
    %c0_i32_0 = arith.constant 0 : i32
    %c0_i32_1 = arith.constant 0 : i32
    return %arg0, %c0_i32, %c0_i32_0 : i32, i32, i32
  }
  func.func @transform_1(%arg0: i32) -> (i32, i32) {
    %c0_i32 = arith.constant 0 : i32
    %c0_i32_0 = arith.constant 0 : i32
    %c0_i32_1 = arith.constant 0 : i32
    return %c0_i32, %c0_i32_0 : i32, i32
  }
  func.func @transform_2(%arg0: i32) -> (i32, i32, i32) {
    %c0_i32 = arith.constant 0 : i32
    %c0_i32_0 = arith.constant 0 : i32
    %c0_i32_1 = arith.constant 0 : i32
    return %arg0, %c0_i32, %c0_i32_0 : i32, i32, i32
  }
}

module attributes {stable_mosaic.version = 14 : i64} {
  func.func @_onehot_body(%arg0: i32, %arg1: memref<512x512xf32, #tpu.memory_space<vmem>>, %arg2: memref<1x1x1024xi32, #tpu.memory_space<vmem>>, %arg3: memref<1x512x1024xf32, #tpu.memory_space<vmem>>, %arg4: memref<1x512x1024xf32, #tpu.memory_space<vmem>>, %arg5: memref<1x512x1024xf32, #tpu.memory_space<vmem>>) attributes {dimension_semantics = [#tpu.dimension_semantics<arbitrary>], iteration_bounds = array<i64: 8>, scalar_prefetch = 0 : i64, scratch_operands = 0 : i64, tpu.core_type = #tpu.core_type<tc>, window_params = [{pipeline_mode = #tpu.pipeline_mode<synchronous>, transform_indices = @transform_0, window_bounds = array<i64: 512, 512>}, {transform_indices = @transform_1, window_bounds = array<i64: 1, 1, 1024>}, {transform_indices = @transform_2, window_bounds = array<i64: 1, 512, 1024>}, {transform_indices = @transform_3, window_bounds = array<i64: 1, 512, 1024>}, {transform_indices = @transform_4, window_bounds = array<i64: 1, 512, 1024>}]} {
    %get3A = arith.constant 0 : index
    %get3A_0 = arith.constant 0 : index
    %get3A_1 = arith.constant 0 : index
    %get3A_2 = vector.load %arg2[%get3A, %get3A_0, %get3A_1] : memref<1x1x1024xi32, #tpu.memory_space<vmem>>, vector<1x1x1024xi32>
    %get3A_3 = vector.shape_cast %get3A_2 : vector<1x1x1024xi32> to vector<1024xi32>
    %iota3A = tpu.iota {dimensions = array<i32: 1>} : vector<1024x512xi32>
    %broadcast_in_dim3A = vector.shape_cast %get3A_3 : vector<1024xi32> to vector<1024x1xi32>
    %eq3A = vector.broadcast %broadcast_in_dim3A : vector<1024x1xi32> to vector<1024x512xi32>
    %eq3A_4 = arith.cmpi eq, %iota3A, %eq3A : vector<1024x512xi32>
    %convert_element_type3A = arith.extui %eq3A_4 : vector<1024x512xi1> to vector<1024x512xi32>
    %convert_element_type3A_5 = arith.sitofp %convert_element_type3A : vector<1024x512xi32> to vector<1024x512xf32>
    %get3A_6 = arith.constant 0 : index
    %get3A_7 = arith.constant 0 : index
    %get3A_8 = vector.load %arg1[%get3A_6, %get3A_7] : memref<512x512xf32, #tpu.memory_space<vmem>>, vector<512x512xf32>
    %dot_general3A = arith.constant dense<0.000000e+00> : vector<512x1024xf32>
    %dot_general3A_9 = tpu.matmul %get3A_8, %convert_element_type3A_5, %dot_general3A {dimension_numbers = #tpu.dot_dimension_numbers<[1], [1], [0], [0], [0, 0, 1, 0], [], []>, precision = #tpu.contract_precision<fp32>, transpose_lhs_hint = false} : vector<512x512xf32>, vector<1024x512xf32>, vector<512x1024xf32> -> vector<512x1024xf32>
    %swap3A = arith.constant 0 : index
    %swap3A_10 = arith.constant 0 : index
    %swap3A_11 = arith.constant 0 : index
    %swap3A_12 = vector.load %arg4[%swap3A, %swap3A_10, %swap3A_11] : memref<1x512x1024xf32, #tpu.memory_space<vmem>>, vector<1x512x1024xf32>
    %swap3A_13 = vector.shape_cast %swap3A_12 : vector<1x512x1024xf32> to vector<512x1024xf32>
    %swap3A_14 = vector.shape_cast %dot_general3A_9 : vector<512x1024xf32> to vector<1x512x1024xf32>
    tpu.vector_store %arg4[%swap3A, %swap3A_10, %swap3A_11], %swap3A_14 {strides = array<i32>} : memref<1x512x1024xf32, #tpu.memory_space<vmem>>, vector<1x512x1024xf32>,
    %get3A_15 = arith.constant 0 : index
    %get3A_16 = arith.constant 0 : index
    %get3A_17 = arith.constant 0 : index
    %get3A_18 = vector.load %arg3[%get3A_15, %get3A_16, %get3A_17] : memref<1x512x1024xf32, #tpu.memory_space<vmem>>, vector<1x512x1024xf32>
    %get3A_19 = vector.shape_cast %get3A_18 : vector<1x512x1024xf32> to vector<512x1024xf32>
    %swap3A_20 = arith.constant 0 : index
    %swap3A_21 = arith.constant 0 : index
    %swap3A_22 = arith.constant 0 : index
    %swap3A_23 = vector.load %arg5[%swap3A_20, %swap3A_21, %swap3A_22] : memref<1x512x1024xf32, #tpu.memory_space<vmem>>, vector<1x512x1024xf32>
    %swap3A_24 = vector.shape_cast %swap3A_23 : vector<1x512x1024xf32> to vector<512x1024xf32>
    %swap3A_25 = vector.shape_cast %get3A_19 : vector<512x1024xf32> to vector<1x512x1024xf32>
    tpu.vector_store %arg5[%swap3A_20, %swap3A_21, %swap3A_22], %swap3A_25 {strides = array<i32>} : memref<1x512x1024xf32, #tpu.memory_space<vmem>>, vector<1x512x1024xf32>,
    return
  }
  func.func @transform_0(%arg0: i32) -> (i32, i32) {
    %c0_i32 = arith.constant 0 : i32
    %c0_i32_0 = arith.constant 0 : i32
    %c0_i32_1 = arith.constant 0 : i32
    return %c0_i32, %c0_i32_0 : i32, i32
  }
  func.func @transform_1(%arg0: i32) -> (i32, i32, i32) {
    %c0_i32 = arith.constant 0 : i32
    %c0_i32_0 = arith.constant 0 : i32
    %c0_i32_1 = arith.constant 0 : i32
    return %arg0, %c0_i32, %c0_i32_0 : i32, i32, i32
  }
  func.func @transform_2(%arg0: i32) -> (i32, i32, i32) {
    %c0_i32 = arith.constant 0 : i32
    %c0_i32_0 = arith.constant 0 : i32
    %c0_i32_1 = arith.constant 0 : i32
    return %arg0, %c0_i32, %c0_i32_0 : i32, i32, i32
  }
  func.func @transform_3(%arg0: i32) -> (i32, i32, i32) {
    %c0_i32 = arith.constant 0 : i32
    %c0_i32_0 = arith.constant 0 : i32
    %c0_i32_1 = arith.constant 0 : i32
    return %arg0, %c0_i32, %c0_i32_0 : i32, i32, i32
  }
  func.func @transform_4(%arg0: i32) -> (i32, i32, i32) {
    %c0_i32 = arith.constant 0 : i32
    %c0_i32_0 = arith.constant 0 : i32
    %c0_i32_1 = arith.constant 0 : i32
    return %arg0, %c0_i32, %c0_i32_0 : i32, i32, i32
  }
}

</mosaic_0001>

<sc_bundles>
// kernel: kernel.5.cloned.1.call-start
scs
__scs_entry_jumppad:
0x0: {  	(pc) =	sbr.rel $0x88, $3  }
0x1: {  	(tag) =	ssettag $0x0;
	lr =	simm.s32 $0x1  }
0x2: {  	[smem:$0x3F9F] =	sst lr;
	_ =	strace $0xD0000000  }
0x3: {  	_ = 	snop  }
0x4: {  	_ = 	snop  }
0x5: {  	_ = 	snop  }
0x6: {  	_ = 	snop  }
0x7: {  	_ = 	snop  }
__scs_overlays_trampoline_lowered:
0x8: {  	[smem:$0x3FAE] =	sst s0  }
0x9: {  	[smem:$0x3FAF] =	sst s1  }
0xa: {  	[smem:$0x3FB0] =	sst s2  }
0xb: {  	[smem:$0x3FB1] =	sst s3  }
0xc: {  	[smem:$0x3FB2] =	sst s4  }
0xd: {  	[smem:$0x3FB3] =	sst s5  }
0xe: {  	[smem:$0x3FB4] =	sst s6  }
0xf: {  	[smem:$0x3FB5] =	sst s7  }
0x10: {  	[smem:$0x3FB6] =	sst s8  }
0x11: {  	[smem:$0x3FB7] =	sst s9;
	s0 =	simm.s32 @!p0 $0x0  }
0x12: {  	s1 =	sld [smem:$0x3F9D];
	s0 =	simm.s32 @p0 $0x1  }
0x13: {  	[smem:$0x3FB8] =	sst s0;
	s0 =	simm.s32 @!p1 $0x0  }
0x14: {  	s2 =	sld [smem:$0x3F9C];
	s0 =	simm.s32 @p1 $0x1  }
0x15: {  	[smem:$0x3FB9] =	sst s0;
	s0 =	simm.s32 @!p2 $0x0  }
0x16: {  	s3 =	sld [smem:$0x3FDB];
	s0 =	simm.s32 @p2 $0x1  }
0x17: {  	s4 =	simm.s32 $0x1BF5;
	[smem:$0x3FBB] =	sst s0  }
0x18: {  	s0 =	sld [smem:$0x3F9E];
	_ =	swait.ge [sflag:s4], $0x0  }
0x19: {  	s7 =	sld [smem:$0x3F9F]  }
0x1a: {  	s8 =	sadd.s32 $0xFFFFE003, lr  }
0x1b: {  	s9 =	sadd.s32 $0xFFFFFEF7, lr;
	s5 =	simm.s32 $0xFFFFFFFF;
	p2 =	slt.u32 s8, $0xFFFFF086  }
0x1c: {  	p1 =	slt.u32 s9, $0xF7A;
	s5 =	simm.s32 @!p2 $0x0  }
0x1d: {  	s5 =	simm.s32 @p1 $0x1;
	p0 =	seq.s32 s7, s2  }
0x1e: {  	s7 =	smul.u32 @!p0 $0xF7A, s2;
	p2 =	seq.s32 @!p0 s5, $0x0  }
0x1f: {  	s9 =	smul.u32 $0xF7A, s1;
	s8 =	simm.s32 @!p0 $0x1BF5;
	p2 =	por !p2, p0  }
0x20: {  	[sflag:s8] =	ssyncset.s32 @!p0 $0xFFFFF086;
	s6 =	sadd.s32 @!p0 s3, s7;
	s7 =	simm.s32 @!p0 $0x108  }
0x21: {  	s3 =	sadd.s32 s3, s9;
	s6 =	sadd.s32 @!p0 $0x88, s6;
	s7 =	simm.s32 @p2 $0x1082  }
0x22: {  	[simem:s7], [sflag:s8] =	dma.local @!p0 [hbm:s6], $0xF7A  }
0x23: {  	s9 =	sor.u32 $0xD0000000, s2;
	s6 =	simm.s32 $0x108;
	_ =	swait.ge @!p0 [sflag:s8], $0x0  }
0x24: {  	s3 =	sadd.s32 $0x88, s3;
	s6 =	simm.s32 @!p1 $0x1082;
	[sflag:s4] =	ssyncset.s32 $0xFFFFF086  }
0x25: {  	[simem:s6], [sflag:s4] =	dma.local [hbm:s3], $0xF7A  }
0x26: {  	[smem:$0x3F9F] =	sst s1;
	(tag) =	ssettag s2;
	_ =	strace s9  }
0x27: {  	s1 =	sld [smem:$0x3FAF]  }
0x28: {  	s2 =	sld [smem:$0x3FB0]  }
0x29: {  	s4 =	sld [smem:$0x3FB2]  }
0x2a: {  	p0 =	seq.s32 s5, $0x0;
	s5 =	sld [smem:$0x3FB3]  }
0x2b: {  	s6 =	sld [smem:$0x3FB4]  }
0x2c: {  	s7 =	sld [smem:$0x3FB5]  }
0x2d: {  	s3 =	simm.s32 $0x108;
	s8 =	sld [smem:$0x3FB6]  }
0x2e: {  	s3 =	simm.s32 @!p0 $0x1082;
	s9 =	sld [smem:$0x3FB7]  }
0x2f: {  	lr =	sadd.s32 s0, s3;
	s0 =	sld [smem:$0x3FAE]  }
0x30: {  	s3 =	sld [smem:$0x3FB1]  }
0x31: {  	[smem:$0x3FBA] =	sst s10  }
0x32: {  	s10 =	sld [smem:$0x3FB8];
	_ =	sdelay $0x3  }
0x33: {  	p0 =	seq.s32 s10, $0x1;
	s10 =	sld [smem:$0x3FBA];
	_ =	sdelay $0x3  }
0x34: {  	[smem:$0x3FBA] =	sst s10  }
0x35: {  	s10 =	sld [smem:$0x3FB9];
	_ =	sdelay $0x3  }
0x36: {  	p1 =	seq.s32 s10, $0x1;
	s10 =	sld [smem:$0x3FBA];
	_ =	sdelay $0x3  }
0x37: {  	[smem:$0x3FBA] =	sst s10  }
0x38: {  	s10 =	sld [smem:$0x3FBB]  }
0x39: {  	_ = 	snop;
	(pc) =	sbr.ind lr, $3  }
0x3a: {  	_ = 	snop  }
0x3b: {  	_ = 	snop  }
0x3c: {  	p2 =	seq.s32 s10, $0x1;
	s10 =	sld [smem:$0x3FBA]  }
0x3d: {  	_ =	shalt  }
0x3e: {  	_ =	shalt  }
0x3f: {  	_ =	shalt  }
0x40: {  	_ =	shalt  }
0x41: {  	_ =	shalt  }
0x42: {  	_ =	shalt  }
0x43: {  	_ =	shalt  }
0x44: {  	_ =	shalt  }
0x45: {  	_ =	shalt  }
0x46: {  	_ =	shalt  }
0x47: {  	_ =	shalt  }
0x48: {  	_ =	shalt  }
0x49: {  	_ =	shalt  }
0x4a: {  	_ =	shalt  }
0x4b: {  	_ =	shalt  }
0x4c: {  	_ =	shalt  }
0x4d: {  	_ =	shalt  }
0x4e: {  	_ =	shalt  }
0x4f: {  	_ =	shalt  }
0x50: {  	_ =	shalt  }
0x51: {  	_ =	shalt  }
0x52: {  	_ =	shalt  }
0x53: {  	_ =	shalt  }
0x54: {  	_ =	shalt  }
0x55: {  	_ =	shalt  }
0x56: {  	_ =	shalt  }
0x57: {  	_ =	shalt  }
0x58: {  	_ =	shalt  }
0x59: {  	_ =	shalt  }
0x5a: {  	_ =	shalt  }
0x5b: {  	_ =	shalt  }
0x5c: {  	_ =	shalt  }
0x5d: {  	_ =	shalt  }
0x5e: {  	_ =	shalt  }
0x5f: {  	_ =	shalt  }
0x60: {  	_ =	shalt  }
0x61: {  	_ =	shalt  }
0x62: {  	_ =	shalt  }
0x63: {  	_ =	shalt  }
0x64: {  	_ =	shalt  }
0x65: {  	_ =	shalt  }
0x66: {  	_ =	shalt  }
0x67: {  	_ =	shalt  }
0x68: {  	_ =	shalt  }
0x69: {  	_ =	shalt  }
0x6a: {  	_ =	shalt  }
0x6b: {  	_ =	shalt  }
0x6c: {  	_ =	shalt  }
0x6d: {  	_ =	shalt  }
0x6e: {  	_ =	shalt  }
0x6f: {  	_ =	shalt  }
0x70: {  	_ =	shalt  }
0x71: {  	_ =	shalt  }
0x72: {  	_ =	shalt  }
0x73: {  	_ =	shalt  }
0x74: {  	_ =	shalt  }
0x75: {  	_ =	shalt  }
0x76: {  	_ =	shalt  }
0x77: {  	_ =	shalt  }
0x78: {  	_ =	shalt  }
0x79: {  	_ =	shalt  }
0x7a: {  	_ =	shalt  }
0x7b: {  	_ =	shalt  }
0x7c: {  	_ =	shalt  }
0x7d: {  	_ =	shalt  }
0x7e: {  	_ =	shalt  }
0x7f: {  	_ =	shalt  }
0x80: {  	_ =	shalt  }
0x81: {  	_ =	shalt  }
0x82: {  	_ =	shalt  }
0x83: {  	_ =	shalt  }
0x84: {  	_ =	shalt  }
0x85: {  	_ =	shalt  }
0x86: {  	_ =	shalt  }
0x87: {  	_ =	shalt  }
.Lfunc_end0:
.L_simem_size_0:
called_computation_lowered:
.L_overlay_start_0:
0x88: {  	s2 =	sld [smem:$0x3FD9]  }
0x89: {  	s3 =	sld [smem:$0x3FFE];
	_ =	sdelay $0x1  }
0x8a: {  	s1 =	srdreg.scid  }
0x8b: {  	s0 =	sand.u32 $0x1, s1  }
0x8c: {  	s16 =	sshll.u32 s0, $0xA;
	s2 =	sadd.s32 s3, s2  }
0x8d: {  	s2 =	sadd.s32 s2, s16  }
0x8e: {  	[smem:$0x3FC6] =	sst s2  }
0x8f: {  	_ = 	snop  }
0x90: {  	(tm) =	ssettm $0x1  }
0x91: {  	s17 =	sld [smem:$0x3FFB];
	_ =	sdelay $0x3  }
0x92: {  	_ =	strace s17  }
0x93: {  	s2 =	sld [smem:$0x3FFC];
	_ =	sdelay $0x3  }
0x94: {  	_ =	strace s2  }
0x95: {  	s2 =	sld [smem:$0x3FFD];
	_ =	sdelay $0x3  }
0x96: {  	_ =	strace s2  }
0x97: {  	_ =	strace $0x8FFFFFFF  }
0x98: {  	s18 =	sld [smem:$0x3FDB];
	_ =	sdelay $0x1  }
0x99: {  	s19 =	simm.s32 $_scs_section_size  }
0x9a: {  	s4 =	simm.s32 $_size__tile_overlayer_lowered;
	s5 =	simm.s32 $_tile_overlayer_lowered  }
0x9b: {  	s22 =	simm.s32 $0x1BFF;
	s21 =	sshll.u32 s5, $0x1;
	s2 =	sadd.s32 s19, s18  }
0x9c: {  	s6 =	simm.s32 $0x0;
	s20 =	sshll.u32 s4, $0x1;
	s4 =	sadd.s32 s21, s2  }
0x9d: {  	[timem:s6], [sflag:s22] =	dma.local [hbm:s4], s20  }
0x9e: {  	_ =	swait.ge [sflag:s22], s20  }
0x9f: {  	s3 =	ssub.s32 $0x0, s20;
	[sflag:s22] =	ssyncset.done $0x0  }
0xa0: {  	[sflag:s22] =	ssyncadd.s32 s3;
	_ =	sdelay $0x1  }
0xa1: {  	s23 =	simm.s32 $0x1B8B  }
0xa2: {  	_ =	swait.ge [sflag:s23], $0x1  }
0xa3: {  	[sflag:s23] =	ssyncset.done $0x0  }
0xa4: {  	s25 =	simm.s32 $0x1B8E;
	s24 =	sld [smem:$0x3FFE];
	[sflag:s23] =	ssyncadd.s32 $0xFFFFFFFF  }
0xa5: {  	s26 =	simm.s32 $execute0_lowered;
	[smem:$0x3FD2] =	sst s25  }
0xa6: {  	s4 =	sshll.u32 s26, $0x1;
	_ =	strace $0x80000046;
	[dreg:$0x1] =	wrdreg $0xFFFFFFFF  }
0xa7: {  	s28 =	simm.s32 $_size_execute0_lowered;
	s2 =	sadd.s32 s2, s4;
	[dreg:$0x0] =	wrdreg $0x0  }
0xa8: {  	s4 =	sshll.u32 s28, $0x1;
	[dreg:$0x2] =	wrdreg s2  }
0xa9: {  	[dreg:$0x3] =	wrdreg s4  }
0xaa: {  	[dreg:$0x4] =	wrdreg $0xC0  }
0xab: {  	_ =	task [dreg:s6], $0x5FFFF  }
0xac: {  	[dreg:$0x1] =	wrdreg $0xFFFFFFFF  }
0xad: {  	[dreg:$0x0] =	wrdreg $0x60  }
0xae: {  	[dreg:$0x2] =	wrdreg s24  }
0xaf: {  	[dreg:$0x3] =	wrdreg $0x9  }
0xb0: {  	_ =	task.clear_ibuf [dreg:s6], $0x4FFFF;
	_ =	strace $0x90000046  }
0xb1: {  	s29 =	simm.s32 $0x9;
	_ =	strace $0x80000048  }
0xb2: {  	_ =	swait.ge [sflag:s29], $0x1  }
0xb3: {  	[sflag:s29] =	ssyncadd.s32 $0xFFFFFFFF  }
0xb4: {  	_ =	strace $0x90000048  }
0xb5: {  	_ =	sfence  }
0xb6: {  	s30 =	sld [smem:$0x0];
	_ =	sdelay $0x2  }
0xb7: {  	s31 =	sshll.u32 s1, $0xD;
	s1 =	sshrl.u32 s1, $0x2  }
0xb8: {  	s3 =	sand.u32 $0x4000, s31;
	s1 =	sadd.s32 s1, s30  }
0xb9: {  	s0 =	sor.u32 s3, s0;
	s1 =	sshll.u32 s1, $0x11  }
0xba: {  	s0 =	sor.u32 s1, s0  }
0xbb: {  	s0 =	sadd.s32 $0x8F2B, s0  }
0xbc: {  	[sflag:s0] =	ssyncadd.remote.s32 $0x1  }
0xbd: {  	_ =	sfence.sel $0xFFFF  }
0xbe: {  	[dreg:$0x0] =	wrdreg $0xFFFFFFFF;
	(pc) =	sbr.abs _section_cstart, $3  }
0xbf: {  	[dreg:$0x1] =	wrdreg $0xFFFFFFFF  }
0xc0: {  	_ =	task.clear_ibuf [dreg:s6], $0x2FFFF;
	_ =	strace $0x9FFFFFFF  }
0xc1: {  	(tm) =	ssettm $0x7FFFFFFF  }
tec
execute0_lowered:
.L_overlay_start_1:
0x0: {  	(tag) =	ssettag $0x1  }
0x1: {  	s4 =	rddreg [dreg:$0x0]  }
0x2: {  	s2 =	srdreg.scid;
	s0 =	rddreg [dreg:$0x1]  }
0x3: {  	s1 =	stileid.u32;
	s8 =	simm.s32 $0x2000;
	s9 =	simm.s32 $0x4000  }
0x4: {  	s10 =	simm.s32 $0x1;
	s11 =	simm.s32 $0x0;
	s3 =	sand.u32 $0x1, s2  }
0x5: {  	s2 =	simm.s32 $0x0;
	s5 =	sshll.u32 s1, $0x5;
	s6 =	sshll.u32 s3, $0x4  }
0x6: {  	[smem:$0x7FF] =	sst s2;
	s7 =	ssub.s32 $0x2, s3;
	s5 =	sor.u32 s6, s5  }
0x7: {  	s3 =	sadd.s32 $0x8E00, s4;
	_ =	strace $0x80000047;
	s6 =	sshll.u32 s5, $0x6  }
0x8: {  	s31 =	sshrl.u32 s7, $0x1;
	s5 =	sshll.u32 s5, $0x7;
	s6 =	sadd.s32 s6, s4  }
0x9: {  	s7 =	ssub.s32 s7, s31;
	s5 =	sadd.s32 s5, s4;
	s4 =	sadd.s32 $0xE00, s6  }
0xa: {  	s5 =	sadd.s32 $0x9200, s5;
	s6 =	smax.u32 s7, $0x1;
	s7 =	simm.s32 $0x2  }
.LBB2_1:
0xb: {  	[tilespmem:s2], [sflag:$0x2] =	stream.linear.gather [hbm4b:s4+s2], $0x2000, $0x38;
	[tilespmem:$0xC000] =	vst v63  }
0xc: {  	_ =	swait.ge [sflag:s7], $0x2000  }
0xd: {  	[sflag:s7] =	ssyncset.done $0x0  }
0xe: {  	[sflag:s7] =	ssyncadd.s32 $0xFFFFE000  }
0xf: {  	[tilespmem:s8], [sflag:$0x2] =	stream.linear.gather [hbm4b:s3+s2], $0x2000, $0x38;
	[tilespmem:$0xC000] =	vst v63  }
0x10: {  	_ =	swait.ge [sflag:s7], $0x2000  }
0x11: {  	[sflag:s7] =	ssyncset.done $0x0  }
0x12: {  	s12 =	simm.s32 $0x2020;
	[sflag:s7] =	ssyncadd.s32 $0xFFFFE000  }
0x13: {  	v4 =	vld [tilespmem:s12+$0x10]  }
0x14: {  	v2 =	vld [tilespmem:s12+$0xFFFFFFF0]  }
0x15: {  	v1 =	vld [tilespmem:s12+$0x0];
	_ =	sdelay $0x2  }
0x16: {  	v3 =	vld [tilespmem:s12+$0xFFFFFFE0];
	_ =	sdelay $0x2  }
0x17: {  	v0 =	vld.idx.msk [tilespmem:v4+s2+$0x0], $0xffff  }
0x18: {  	v6 =	vadd.s32 $0x200, v4;
	v5 =	vld.idx.msk [tilespmem:v2+s2+$0x0], $0xffff  }
0x19: {  	v7 =	vadd.s32 $0x200, v2;
	v8 =	vld.idx.msk [tilespmem:v1+s2+$0x0], $0xffff  }
0x1a: {  	v9 =	vadd.s32 $0x200, v1  }
0x1b: {  	s12 =	simm.s32 $0x6000  }
0x1c: {  	v10 =	vld.idx.msk [tilespmem:v3+s2+$0x0], $0xffff;
	[tilespmem:s12+$0xFFFFE030] =	vst v0  }
0x1d: {  	v0 =	vadd.s32 $0x200, v3;
	[tilespmem:s12+$0xFFFFE010] =	vst v5;
	v5 =	vld.idx.msk [tilespmem:v6+s2+$0x0], $0xffff  }
0x1e: {  	[tilespmem:s12+$0xFFFFE020] =	vst v8;
	v6 =	vld.idx.msk [tilespmem:v7+s2+$0x0], $0xffff;
	v7 =	vadd.s32 $0x400, v4  }
0x1f: {  	v8 =	vadd.s32 $0x400, v2;
	v9 =	vld.idx.msk [tilespmem:v9+s2+$0x0], $0xffff  }
0x20: {  	v11 =	vadd.s32 $0x400, v1  }
0x21: {  	[tilespmem:s12+$0xFFFFE000] =	vst v10  }
0x22: {  	v0 =	vld.idx.msk [tilespmem:v0+s2+$0x0], $0xffff;
	[tilespmem:s12+$0xFFFFE430] =	vst v5  }
0x23: {  	[tilespmem:s12+$0xFFFFE410] =	vst v6;
	v6 =	vld.idx.msk [tilespmem:v7+s2+$0x0], $0xffff  }
0x24: {  	v5 =	vadd.s32 $0x400, v3;
	[tilespmem:s12+$0xFFFFE420] =	vst v9;
	v7 =	vld.idx.msk [tilespmem:v8+s2+$0x0], $0xffff  }
0x25: {  	v8 =	vadd.s32 $0x600, v4;
	v10 =	vld.idx.msk [tilespmem:v11+s2+$0x0], $0xffff  }
0x26: {  	v11 =	vadd.s32 $0x600, v1  }
0x27: {  	v9 =	vadd.s32 $0x600, v2  }
0x28: {  	[tilespmem:s12+$0xFFFFE400] =	vst v0  }
0x29: {  	v0 =	vld.idx.msk [tilespmem:v5+s2+$0x0], $0xffff;
	[tilespmem:s12+$0xFFFFE830] =	vst v6  }
0x2a: {  	v5 =	vadd.s32 $0x600, v3;
	[tilespmem:s12+$0xFFFFE820] =	vst v10;
	v6 =	vld.idx.msk [tilespmem:v8+s2+$0x0], $0xffff  }
0x2b: {  	[tilespmem:s12+$0xFFFFE810] =	vst v7;
	v8 =	vadd.s32 $0x800, v4;
	v10 =	vld.idx.msk [tilespmem:v11+s2+$0x0], $0xffff  }
0x2c: {  	v7 =	vld.idx.msk [tilespmem:v9+s2+$0x0], $0xffff;
	v11 =	vadd.s32 $0x800, v1  }
0x2d: {  	v9 =	vadd.s32 $0x800, v2  }
0x2e: {  	[tilespmem:s12+$0xFFFFE800] =	vst v0  }
0x2f: {  	v0 =	vld.idx.msk [tilespmem:v5+s2+$0x0], $0xffff;
	[tilespmem:s12+$0xFFFFEC30] =	vst v6  }
0x30: {  	v5 =	vadd.s32 $0x800, v3;
	[tilespmem:s12+$0xFFFFEC20] =	vst v10;
	v6 =	vld.idx.msk [tilespmem:v8+s2+$0x0], $0xffff  }
0x31: {  	[tilespmem:s12+$0xFFFFEC10] =	vst v7;
	v8 =	vadd.s32 $0xA00, v4;
	v10 =	vld.idx.msk [tilespmem:v11+s2+$0x0], $0xffff  }
0x32: {  	v7 =	vld.idx.msk [tilespmem:v9+s2+$0x0], $0xffff;
	v11 =	vadd.s32 $0xA00, v1  }
0x33: {  	v9 =	vadd.s32 $0xA00, v2  }
0x34: {  	[tilespmem:s12+$0xFFFFEC00] =	vst v0  }
0x35: {  	v0 =	vld.idx.msk [tilespmem:v5+s2+$0x0], $0xffff;
	[tilespmem:s12+$0xFFFFF030] =	vst v6  }
0x36: {  	v5 =	vadd.s32 $0xA00, v3;
	[tilespmem:s12+$0xFFFFF020] =	vst v10;
	v6 =	vld.idx.msk [tilespmem:v8+s2+$0x0], $0xffff  }
0x37: {  	[tilespmem:s12+$0xFFFFF010] =	vst v7;
	v8 =	vadd.s32 $0xC00, v4;
	v10 =	vld.idx.msk [tilespmem:v11+s2+$0x0], $0xffff  }
0x38: {  	v7 =	vld.idx.msk [tilespmem:v9+s2+$0x0], $0xffff;
	v11 =	vadd.s32 $0xC00, v1  }
0x39: {  	v9 =	vadd.s32 $0xC00, v2  }
0x3a: {  	[tilespmem:s12+$0xFFFFF000] =	vst v0  }
0x3b: {  	v0 =	vld.idx.msk [tilespmem:v5+s2+$0x0], $0xffff;
	[tilespmem:s12+$0xFFFFF430] =	vst v6  }
0x3c: {  	v5 =	vadd.s32 $0xC00, v3;
	[tilespmem:s12+$0xFFFFF420] =	vst v10;
	v6 =	vld.idx.msk [tilespmem:v8+s2+$0x0], $0xffff  }
0x3d: {  	[tilespmem:s12+$0xFFFFF410] =	vst v7;
	v8 =	vadd.s32 $0xE00, v4;
	v10 =	vld.idx.msk [tilespmem:v11+s2+$0x0], $0xffff  }
0x3e: {  	v7 =	vld.idx.msk [tilespmem:v9+s2+$0x0], $0xffff;
	v11 =	vadd.s32 $0xE00, v1  }
0x3f: {  	v9 =	vadd.s32 $0xE00, v2  }
0x40: {  	[tilespmem:s12+$0xFFFFF400] =	vst v0  }
0x41: {  	v0 =	vld.idx.msk [tilespmem:v5+s2+$0x0], $0xffff;
	[tilespmem:s12+$0xFFFFF830] =	vst v6  }
0x42: {  	v5 =	vadd.s32 $0xE00, v3;
	[tilespmem:s12+$0xFFFFF820] =	vst v10;
	v6 =	vld.idx.msk [tilespmem:v8+s2+$0x0], $0xffff  }
0x43: {  	[tilespmem:s12+$0xFFFFF810] =	vst v7;
	v8 =	vadd.s32 $0x1000, v4;
	v10 =	vld.idx.msk [tilespmem:v11+s2+$0x0], $0xffff  }
0x44: {  	s13 =	simm.s32 $0x2060;
	v7 =	vld.idx.msk [tilespmem:v9+s2+$0x0], $0xffff;
	v11 =	vadd.s32 $0x1000, v1  }
0x45: {  	v23 =	vld [tilespmem:s13+$0x0];
	v9 =	vadd.s32 $0x1000, v2  }
0x46: {  	[tilespmem:s12+$0xFFFFF800] =	vst v0;
	v0 =	vld [tilespmem:s13+$0x10]  }
0x47: {  	v5 =	vld.idx.msk [tilespmem:v5+s2+$0x0], $0xffff;
	[tilespmem:s12+$0xFFFFFC30] =	vst v6  }
0x48: {  	[tilespmem:s12+$0xFFFFFC20] =	vst v10;
	v6 =	vld.idx.msk [tilespmem:v8+s2+$0x0], $0xffff  }
0x49: {  	[tilespmem:s12+$0xFFFFFC10] =	vst v7;
	v10 =	vld.idx.msk [tilespmem:v11+s2+$0x0], $0xffff;
	v11 =	vadd.s32 $0x1000, v3  }
0x4a: {  	v7 =	vld.idx.msk [tilespmem:v9+s2+$0x0], $0xffff;
	v9 =	vadd.s32 $0x1200, v4  }
0x4b: {  	v24 =	vld [tilespmem:s13+$0xFFFFFFE0];
	v13 =	vadd.s32 $0x1200, v1  }
0x4c: {  	v12 =	vadd.s32 $0x1200, v2;
	v8 =	vld [tilespmem:s13+$0xFFFFFFF0]  }
0x4d: {  	v16 =	vld.idx.msk [tilespmem:v23+s2+$0x0], $0xffff;
	[tilespmem:s12+$0xFFFFFC00] =	vst v5  }
0x4e: {  	[tilespmem:s12+$0x30] =	vst v6;
	v5 =	vld.idx.msk [tilespmem:v11+s2+$0x0], $0xffff  }
0x4f: {  	[tilespmem:s12+$0x20] =	vst v10;
	v6 =	vld.idx.msk [tilespmem:v9+s2+$0x0], $0xffff  }
0x50: {  	[tilespmem:s12+$0x10] =	vst v7;
	v11 =	vadd.s32 $0x1200, v3;
	v10 =	vld.idx.msk [tilespmem:v13+s2+$0x0], $0xffff  }
0x51: {  	s13 =	simm.s32 $0x6040;
	v7 =	vadd.s32 $0x1400, v4;
	v9 =	vld.idx.msk [tilespmem:v12+s2+$0x0], $0xffff  }
0x52: {  	[tilespmem:s13+$0xFFFFE020] =	vst v16;
	v12 =	vld.idx.msk [tilespmem:v0+s2+$0x0], $0xffff;
	v13 =	vadd.s32 $0x1400, v2  }
0x53: {  	v17 =	vadd.s32 $0x200, v23;
	[tilespmem:s12+$0x0] =	vst v5;
	v5 =	vld.idx.msk [tilespmem:v24+s2+$0x0], $0xffff  }
0x54: {  	v14 =	vld.idx.msk [tilespmem:v8+s2+$0x0], $0xffff;
	[tilespmem:s12+$0x430] =	vst v6;
	v6 =	vadd.s32 $0x200, v0  }
0x55: {  	v11 =	vld.idx.msk [tilespmem:v11+s2+$0x0], $0xffff;
	[tilespmem:s12+$0x420] =	vst v10;
	v10 =	vadd.s32 $0x200, v24  }
0x56: {  	v15 =	vadd.s32 $0x200, v8;
	[tilespmem:s12+$0x410] =	vst v9;
	v7 =	vld.idx.msk [tilespmem:v7+s2+$0x0], $0xffff  }
0x57: {  	[tilespmem:s13+$0xFFFFE030] =	vst v12;
	v12 =	vld.idx.msk [tilespmem:v13+s2+$0x0], $0xffff;
	v13 =	vadd.s32 $0x1400, v3  }
0x58: {  	v9 =	vadd.s32 $0x1600, v4;
	[tilespmem:s13+$0xFFFFE000] =	vst v5;
	v5 =	vld.idx.msk [tilespmem:v17+s2+$0x0], $0xffff  }
0x59: {  	[tilespmem:s13+$0xFFFFE010] =	vst v14;
	v14 =	vadd.s32 $0x1400, v1;
	v6 =	vld.idx.msk [tilespmem:v6+s2+$0x0], $0xffff  }
0x5a: {  	v17 =	vadd.s32 $0x400, v23;
	v10 =	vld.idx.msk [tilespmem:v10+s2+$0x0], $0xffff;
	[tilespmem:s12+$0x400] =	vst v11  }
0x5b: {  	v15 =	vld.idx.msk [tilespmem:v15+s2+$0x0], $0xffff;
	[tilespmem:s12+$0x830] =	vst v7;
	v7 =	vadd.s32 $0x400, v0  }
0x5c: {  	v13 =	vld.idx.msk [tilespmem:v13+s2+$0x0], $0xffff;
	[tilespmem:s12+$0x810] =	vst v12;
	v12 =	vadd.s32 $0x400, v24  }
0x5d: {  	v16 =	vadd.s32 $0x400, v8;
	v9 =	vld.idx.msk [tilespmem:v9+s2+$0x0], $0xffff;
	[tilespmem:s13+$0xFFFFE420] =	vst v5  }
0x5e: {  	v11 =	vadd.s32 $0x1800, v4;
	[tilespmem:s13+$0xFFFFE430] =	vst v6;
	v6 =	vld.idx.msk [tilespmem:v14+s2+$0x0], $0xffff  }
0x5f: {  	v14 =	vadd.s32 $0x1600, v3;
	[tilespmem:s13+$0xFFFFE400] =	vst v10;
	v10 =	vld.idx.msk [tilespmem:v17+s2+$0x0], $0xffff  }
0x60: {  	[tilespmem:s13+$0xFFFFE410] =	vst v15;
	v15 =	vadd.s32 $0x1600, v2;
	v7 =	vld.idx.msk [tilespmem:v7+s2+$0x0], $0xffff  }
0x61: {  	v17 =	vadd.s32 $0x600, v23;
	v12 =	vld.idx.msk [tilespmem:v12+s2+$0x0], $0xffff;
	[tilespmem:s12+$0x800] =	vst v13  }
0x62: {  	v16 =	vld.idx.msk [tilespmem:v16+s2+$0x0], $0xffff;
	v5 =	vadd.s32 $0x600, v0;
	[tilespmem:s12+$0xC30] =	vst v9  }
0x63: {  	v9 =	vld.idx.msk [tilespmem:v11+s2+$0x0], $0xffff;
	v11 =	vadd.s32 $0x600, v8;
	[tilespmem:s12+$0x820] =	vst v6  }
0x64: {  	v13 =	vadd.s32 $0x1A00, v4;
	v14 =	vld.idx.msk [tilespmem:v14+s2+$0x0], $0xffff;
	[tilespmem:s13+$0xFFFFE820] =	vst v10  }
0x65: {  	v6 =	vadd.s32 $0x600, v24;
	[tilespmem:s13+$0xFFFFE830] =	vst v7;
	v7 =	vld.idx.msk [tilespmem:v15+s2+$0x0], $0xffff  }
0x66: {  	v15 =	vadd.s32 $0x1600, v1;
	[tilespmem:s13+$0xFFFFE800] =	vst v12;
	v12 =	vld.idx.msk [tilespmem:v17+s2+$0x0], $0xffff  }
0x67: {  	[tilespmem:s13+$0xFFFFE810] =	vst v16;
	v16 =	vadd.s32 $0x1800, v3;
	v5 =	vld.idx.msk [tilespmem:v5+s2+$0x0], $0xffff  }
0x68: {  	v11 =	vld.idx.msk [tilespmem:v11+s2+$0x0], $0xffff;
	[tilespmem:s12+$0x1030] =	vst v9;
	v9 =	vadd.s32 $0x800, v0  }
0x69: {  	v10 =	vld.idx.msk [tilespmem:v13+s2+$0x0], $0xffff;
	v13 =	vadd.s32 $0x800, v8  }
0x6a: {  	v6 =	vld.idx.msk [tilespmem:v6+s2+$0x0], $0xffff;
	[tilespmem:s12+$0xC00] =	vst v14;
	v14 =	vadd.s32 $0x1C00, v4  }
0x6b: {  	v17 =	vadd.s32 $0x800, v23;
	[tilespmem:s12+$0xC10] =	vst v7;
	v7 =	vld.idx.msk [tilespmem:v15+s2+$0x0], $0xffff  }
0x6c: {  	v15 =	vadd.s32 $0x800, v24;
	[tilespmem:s13+$0xFFFFEC30] =	vst v5;
	v5 =	vld.idx.msk [tilespmem:v16+s2+$0x0], $0xffff  }
0x6d: {  	v16 =	vadd.s32 $0x1800, v2;
	[tilespmem:s13+$0xFFFFEC10] =	vst v11;
	v9 =	vld.idx.msk [tilespmem:v9+s2+$0x0], $0xffff  }
0x6e: {  	v11 =	vadd.s32 $0x1800, v1;
	v13 =	vld.idx.msk [tilespmem:v13+s2+$0x0], $0xffff;
	[tilespmem:s12+$0x1430] =	vst v10  }
0x6f: {  	[tilespmem:s13+$0xFFFFEC20] =	vst v12;
	v10 =	vadd.s32 $0xA00, v0;
	v12 =	vld.idx.msk [tilespmem:v14+s2+$0x0], $0xffff  }
0x70: {  	v14 =	vadd.s32 $0xA00, v8;
	[tilespmem:s13+$0xFFFFEC00] =	vst v6;
	v6 =	vld.idx.msk [tilespmem:v17+s2+$0x0], $0xffff  }
0x71: {  	v4 =	vadd.s32 $0x1E00, v4;
	v15 =	vld.idx.msk [tilespmem:v15+s2+$0x0], $0xffff;
	[tilespmem:s12+$0xC20] =	vst v7  }
0x72: {  	v7 =	vadd.s32 $0xA00, v23;
	[tilespmem:s12+$0x1000] =	vst v5;
	v5 =	vld.idx.msk [tilespmem:v16+s2+$0x0], $0xffff  }
0x73: {  	v16 =	vadd.s32 $0xA00, v24;
	[tilespmem:s13+$0xFFFFF030] =	vst v9;
	v9 =	vld.idx.msk [tilespmem:v11+s2+$0x0], $0xffff  }
0x74: {  	v11 =	vadd.s32 $0x1A00, v3;
	[tilespmem:s13+$0xFFFFF010] =	vst v13;
	v10 =	vld.idx.msk [tilespmem:v10+s2+$0x0], $0xffff  }
0x75: {  	v13 =	vadd.s32 $0x1A00, v2;
	v14 =	vld.idx.msk [tilespmem:v14+s2+$0x0], $0xffff;
	[tilespmem:s12+$0x1830] =	vst v12  }
0x76: {  	[tilespmem:s13+$0xFFFFF020] =	vst v6;
	v6 =	vadd.s32 $0xC00, v0;
	v4 =	vld.idx.msk [tilespmem:v4+s2+$0x0], $0xffff  }
0x77: {  	v12 =	vadd.s32 $0xC00, v8;
	[tilespmem:s13+$0xFFFFF000] =	vst v15;
	v7 =	vld.idx.msk [tilespmem:v7+s2+$0x0], $0xffff  }
0x78: {  	v15 =	vadd.s32 $0x1A00, v1;
	v16 =	vld.idx.msk [tilespmem:v16+s2+$0x0], $0xffff;
	[tilespmem:s12+$0x1010] =	vst v5  }
0x79: {  	v5 =	vadd.s32 $0xC00, v23;
	v11 =	vld.idx.msk [tilespmem:v11+s2+$0x0], $0xffff;
	[tilespmem:s12+$0x1020] =	vst v9  }
0x7a: {  	v9 =	vadd.s32 $0xC00, v24;
	[tilespmem:s13+$0xFFFFF430] =	vst v10;
	v10 =	vld.idx.msk [tilespmem:v13+s2+$0x0], $0xffff  }
0x7b: {  	v13 =	vadd.s32 $0x1C00, v3;
	[tilespmem:s13+$0xFFFFF410] =	vst v14;
	v6 =	vld.idx.msk [tilespmem:v6+s2+$0x0], $0xffff  }
0x7c: {  	v14 =	vadd.s32 $0x1C00, v2;
	v12 =	vld.idx.msk [tilespmem:v12+s2+$0x0], $0xffff;
	[tilespmem:s12+$0x1C30] =	vst v4  }
0x7d: {  	[tilespmem:s13+$0xFFFFF420] =	vst v7;
	v4 =	vadd.s32 $0xE00, v0;
	v7 =	vld.idx.msk [tilespmem:v15+s2+$0x0], $0xffff  }
0x7e: {  	v15 =	vadd.s32 $0xE00, v8;
	[tilespmem:s13+$0xFFFFF400] =	vst v16;
	v5 =	vld.idx.msk [tilespmem:v5+s2+$0x0], $0xffff  }
0x7f: {  	v16 =	vadd.s32 $0x1C00, v1;
	v9 =	vld.idx.msk [tilespmem:v9+s2+$0x0], $0xffff;
	[tilespmem:s12+$0x1400] =	vst v11  }
0x80: {  	v11 =	vadd.s32 $0xE00, v23;
	v13 =	vld.idx.msk [tilespmem:v13+s2+$0x0], $0xffff;
	[tilespmem:s12+$0x1410] =	vst v10  }
0x81: {  	v10 =	vadd.s32 $0xE00, v24;
	[tilespmem:s13+$0xFFFFF830] =	vst v6;
	v6 =	vld.idx.msk [tilespmem:v14+s2+$0x0], $0xffff  }
0x82: {  	v3 =	vadd.s32 $0x1E00, v3;
	[tilespmem:s13+$0xFFFFF810] =	vst v12;
	v4 =	vld.idx.msk [tilespmem:v4+s2+$0x0], $0xffff  }
0x83: {  	v2 =	vadd.s32 $0x1E00, v2;
	[tilespmem:s12+$0x1420] =	vst v7;
	v12 =	vld.idx.msk [tilespmem:v15+s2+$0x0], $0xffff  }
0x84: {  	v29 =	vadd.s32 $0x1E00, v1;
	v20 =	vadd.s32 $0x1000, v24;
	v1 =	vadd.s32 $0x1000, v0;
	[tilespmem:s13+$0xFFFFF820] =	vst v5;
	v30 =	vld.idx.msk [tilespmem:v16+s2+$0x0], $0xffff  }
0x85: {  	v18 =	vadd.s32 $0x1200, v24;
	v34 =	vadd.s32 $0x1000, v23;
	v28 =	vadd.s32 $0x1000, v8;
	[tilespmem:s13+$0xFFFFF800] =	vst v9;
	v31 =	vld.idx.msk [tilespmem:v11+s2+$0x0], $0xffff  }
0x86: {  	v21 =	vadd.s32 $0x1200, v23;
	v40 =	vadd.s32 $0x1C00, v24;
	v36 =	vadd.s32 $0x1E00, v24;
	v5 =	vld.idx.msk [tilespmem:v10+s2+$0x0], $0xffff;
	[tilespmem:s12+$0x1800] =	vst v13  }
0x87: {  	v22 =	vadd.s32 $0x1200, v8;
	v19 =	vadd.s32 $0x1400, v8;
	v38 =	vadd.s32 $0x1C00, v8;
	v26 =	vld.idx.msk [tilespmem:v3+s2+$0x0], $0xffff;
	[tilespmem:s12+$0x1810] =	vst v6  }
0x88: {  	v33 =	vadd.s32 $0x1E00, v8;
	v17 =	vadd.s32 $0x1400, v23;
	v14 =	vadd.s32 $0x1600, v8;
	[tilespmem:s13+$0xFFFFFC30] =	vst v4;
	v25 =	vld.idx.msk [tilespmem:v2+s2+$0x0], $0xffff  }
0x89: {  	v7 =	vadd.s32 $0x1A00, v8;
	v16 =	vadd.s32 $0x1400, v24;
	v15 =	vadd.s32 $0x1600, v23;
	[tilespmem:s13+$0xFFFFFC10] =	vst v12;
	v27 =	vld.idx.msk [tilespmem:v1+s2+$0x0], $0xffff  }
0x8a: {  	v9 =	vadd.s32 $0x1800, v24;
	v11 =	vadd.s32 $0x1800, v23;
	v13 =	vadd.s32 $0x1600, v24;
	[tilespmem:s12+$0x1820] =	vst v30;
	v28 =	vld.idx.msk [tilespmem:v28+s2+$0x0], $0xffff  }
0x8b: {  	v10 =	vadd.s32 $0x1800, v8;
	v8 =	vadd.s32 $0x1C00, v23;
	v6 =	vadd.s32 $0x1A00, v24;
	[tilespmem:s13+$0xFFFFFC20] =	vst v31;
	v24 =	vld.idx.msk [tilespmem:v29+s2+$0x0], $0xffff  }
0x8c: {  	s14 =	simm.s32 $0x4;
	s15 =	simm.s32 $0x20A0;
	v12 =	vadd.s32 $0x1A00, v23;
	v30 =	vadd.s32 $0x1200, v0;
	v31 =	vadd.s32 $0x1E00, v23;
	[tilespmem:s13+$0xFFFFFC00] =	vst v5;
	v23 =	vld.idx.msk [tilespmem:v34+s2+$0x0], $0xffff  }
.LBB2_2:
0x8d: {  	[tilespmem:$0x1FF90] =	vst v40  }
0x8e: {  	[tilespmem:$0x1FFA0] =	vst v38;
	v29 =	vld [tilespmem:s15+$0x10]  }
0x8f: {  	[tilespmem:s12+$0x1C00] =	vst v26;
	v34 =	vld [tilespmem:s15+$0xFFFFFFF0]  }
0x90: {  	[tilespmem:$0x1FFC0] =	vst v36;
	v35 =	vld [tilespmem:s15+$0xFFFFFFE0]  }
0x91: {  	[tilespmem:s12+$0x1C10] =	vst v25;
	v20 =	vld.idx.msk [tilespmem:v20+s2+$0x0], $0xffff  }
0x92: {  	v44 =	vld [tilespmem:s15+$0x0];
	[tilespmem:s13+$0x10] =	vst v28  }
0x93: {  	[tilespmem:s12+$0x1C20] =	vst v24;
	v22 =	vld.idx.msk [tilespmem:v22+s2+$0x0], $0xffff  }
0x94: {  	[tilespmem:s13+$0x30] =	vst v27  }
0x95: {  	[tilespmem:s13+$0x20] =	vst v23;
	v25 =	vld.idx.msk [tilespmem:v30+s2+$0x0], $0xffff  }
0x96: {  	v21 =	vld.idx.msk [tilespmem:v21+s2+$0x0], $0xffff;
	[tilespmem:s13+$0x0] =	vst v20;
	v1 =	vadd.s32 $0xE00, v35  }
0x97: {  	[tilespmem:$0x1FFB0] =	vst v1;
	v42 =	vld.idx.msk [tilespmem:v29+s2+$0x0], $0xffff  }
0x98: {  	v23 =	vadd.s32 $0x1400, v0;
	v1 =	vadd.s32 $0x1000, v34;
	v51 =	vld.idx.msk [tilespmem:v34+s2+$0x0], $0xffff;
	[tilespmem:s13+$0x410] =	vst v22  }
0x99: {  	v52 =	vadd.s32 $0x200, v29;
	v57 =	vld.idx.msk [tilespmem:v18+s2+$0x0], $0xffff;
	[tilespmem:$0x1FFD0] =	vst v1;
	v1 =	vadd.s32 $0x1000, v44  }
0x9a: {  	v37 =	vadd.s32 $0x200, v34;
	v54 =	vld.idx.msk [tilespmem:v44+s2+$0x0], $0xffff;
	[tilespmem:$0x1FFF0] =	vst v1  }
0x9b: {  	s12 =	smov.u32 s13;
	v39 =	vadd.s32 $0x200, v44;
	v55 =	vld.idx.msk [tilespmem:v35+s2+$0x0], $0xffff;
	[tilespmem:s13+$0x430] =	vst v25  }
0x9c: {  	v43 =	vadd.s32 $0x200, v35;
	v58 =	vld.idx.msk [tilespmem:v19+s2+$0x0], $0xffff;
	[tilespmem:s12+$0x420] =	vst v21;
	s13 =	sadd.s32 $0x40, s13  }
0x9d: {  	v53 =	vld.idx.msk [tilespmem:v23+s2+$0x0], $0xffff;
	[tilespmem:s13+$0xFFFFE030] =	vst v42  }
0x9e: {  	v56 =	vadd.s32 $0x1600, v0;
	[tilespmem:s13+$0xFFFFE010] =	vst v51;
	v51 =	vld.idx.msk [tilespmem:v52+s2+$0x0], $0xffff  }
0x9f: {  	[tilespmem:s13+$0xFFFFE020] =	vst v54;
	v60 =	vld.idx.msk [tilespmem:v37+s2+$0x0], $0xffff  }
0xa0: {  	v62 =	vadd.s32 $0x400, v29;
	[tilespmem:s13+$0xFFFFE000] =	vst v55;
	v1 =	vld.idx.msk [tilespmem:v39+s2+$0x0], $0xffff  }
0xa1: {  	v45 =	vadd.s32 $0x400, v34;
	v2 =	vld.idx.msk [tilespmem:v43+s2+$0x0], $0xffff;
	[tilespmem:s12+$0x400] =	vst v57  }
0xa2: {  	v47 =	vadd.s32 $0x400, v44;
	[tilespmem:s12+$0x830] =	vst v53;
	v5 =	vld.idx.msk [tilespmem:v16+s2+$0x0], $0xffff  }
0xa3: {  	v49 =	vadd.s32 $0x400, v35;
	[tilespmem:s12+$0x810] =	vst v58;
	v56 =	vld.idx.msk [tilespmem:v56+s2+$0x0], $0xffff  }
0xa4: {  	[tilespmem:s13+$0xFFFFE430] =	vst v51;
	v51 =	vld.idx.msk [tilespmem:v17+s2+$0x0], $0xffff  }
0xa5: {  	v57 =	vadd.s32 $0x1800, v0;
	[tilespmem:s13+$0xFFFFE410] =	vst v60;
	v60 =	vld.idx.msk [tilespmem:v62+s2+$0x0], $0xffff  }
0xa6: {  	[tilespmem:s13+$0xFFFFE420] =	vst v1;
	v45 =	vld.idx.msk [tilespmem:v45+s2+$0x0], $0xffff  }
0xa7: {  	v61 =	vadd.s32 $0x1400, v44;
	v1 =	vadd.s32 $0x600, v29;
	[tilespmem:s13+$0xFFFFE400] =	vst v2;
	v2 =	vld.idx.msk [tilespmem:v47+s2+$0x0], $0xffff  }
0xa8: {  	v46 =	vadd.s32 $0x600, v34;
	v17 =	vmov v61;
	v61 =	vld.idx.msk [tilespmem:v49+s2+$0x0], $0xffff;
	[tilespmem:s12+$0x800] =	vst v5  }
0xa9: {  	v48 =	vadd.s32 $0x600, v44;
	[tilespmem:s12+$0xC30] =	vst v56;
	v62 =	vld.idx.msk [tilespmem:v13+s2+$0x0], $0xffff  }
0xaa: {  	v50 =	vadd.s32 $0x600, v35;
	v56 =	vld.idx.msk [tilespmem:v57+s2+$0x0], $0xffff;
	[tilespmem:s12+$0x820] =	vst v51  }
0xab: {  	v57 =	vld.idx.msk [tilespmem:v14+s2+$0x0], $0xffff;
	[tilespmem:s13+$0xFFFFE830] =	vst v60  }
0xac: {  	[tilespmem:s13+$0xFFFFE810] =	vst v45;
	v1 =	vld.idx.msk [tilespmem:v1+s2+$0x0], $0xffff  }
0xad: {  	v5 =	vadd.s32 $0x1A00, v0;
	[tilespmem:s13+$0xFFFFE820] =	vst v2;
	v45 =	vld.idx.msk [tilespmem:v46+s2+$0x0], $0xffff  }
0xae: {  	[tilespmem:s13+$0xFFFFE800] =	vst v61;
	v58 =	vld.idx.msk [tilespmem:v48+s2+$0x0], $0xffff  }
0xaf: {  	v2 =	vadd.s32 $0x800, v29;
	v47 =	vld.idx.msk [tilespmem:v50+s2+$0x0], $0xffff;
	[tilespmem:s12+$0xC00] =	vst v62  }
0xb0: {  	v40 =	vadd.s32 $0x800, v34;
	[tilespmem:s12+$0x1030] =	vst v56  }
0xb1: {  	v38 =	vadd.s32 $0x800, v44;
	v60 =	vld.idx.msk [tilespmem:v15+s2+$0x0], $0xffff;
	[tilespmem:s12+$0xC10] =	vst v57  }
0xb2: {  	v41 =	vadd.s32 $0x800, v35;
	v59 =	vadd.s32 $0x1400, v35;
	v5 =	vld.idx.msk [tilespmem:v5+s2+$0x0], $0xffff;
	[tilespmem:s13+$0xFFFFEC30] =	vst v1  }
0xb3: {  	v16 =	vmov v59;
	v59 =	vadd.s32 $0x1C00, v0;
	v1 =	vld.idx.msk [tilespmem:v9+s2+$0x0], $0xffff;
	[tilespmem:s13+$0xFFFFEC10] =	vst v45  }
0xb4: {  	[tilespmem:s13+$0xFFFFEC20] =	vst v58;
	v2 =	vld.idx.msk [tilespmem:v2+s2+$0x0], $0xffff  }
0xb5: {  	v40 =	vld.idx.msk [tilespmem:v40+s2+$0x0], $0xffff;
	[tilespmem:s13+$0xFFFFEC00] =	vst v47  }
0xb6: {  	v26 =	vadd.s32 $0xA00, v34;
	v38 =	vld.idx.msk [tilespmem:v38+s2+$0x0], $0xffff;
	[tilespmem:s12+$0xC20] =	vst v60  }
0xb7: {  	v36 =	vadd.s32 $0xA00, v44;
	v41 =	vld.idx.msk [tilespmem:v41+s2+$0x0], $0xffff;
	[tilespmem:s12+$0x1430] =	vst v5  }
0xb8: {  	v61 =	vld.idx.msk [tilespmem:v59+s2+$0x0], $0xffff;
	[tilespmem:s12+$0x1000] =	vst v1  }
0xb9: {  	v24 =	vadd.s32 $0xA00, v35;
	v1 =	vld.idx.msk [tilespmem:v10+s2+$0x0], $0xffff;
	[tilespmem:s13+$0xFFFFF030] =	vst v2  }
0xba: {  	v2 =	vld.idx.msk [tilespmem:v11+s2+$0x0], $0xffff;
	[tilespmem:s13+$0xFFFFF010] =	vst v40  }
0xbb: {  	[tilespmem:s13+$0xFFFFF020] =	vst v38;
	v26 =	vld.idx.msk [tilespmem:v26+s2+$0x0], $0xffff  }
0xbc: {  	v23 =	vadd.s32 $0xC00, v34;
	v36 =	vld.idx.msk [tilespmem:v36+s2+$0x0], $0xffff  }
0xbd: {  	[tilespmem:s13+$0xFFFFF000] =	vst v41  }
0xbe: {  	v30 =	vadd.s32 $0xC00, v44;
	v24 =	vld.idx.msk [tilespmem:v24+s2+$0x0], $0xffff;
	[tilespmem:s12+$0x1010] =	vst v1  }
0xbf: {  	v1 =	vld.idx.msk [tilespmem:v6+s2+$0x0], $0xffff;
	[tilespmem:s12+$0x1020] =	vst v2  }
0xc0: {  	v4 =	vadd.s32 $0x1A00, v34;
	v28 =	vadd.s32 $0xC00, v35;
	v2 =	vld.idx.msk [tilespmem:v7+s2+$0x0], $0xffff;
	[tilespmem:s13+$0xFFFFF410] =	vst v26  }
0xc1: {  	v7 =	vmov v4;
	[tilespmem:s13+$0xFFFFF420] =	vst v36;
	v4 =	vld.idx.msk [tilespmem:v23+s2+$0x0], $0xffff  }
0xc2: {  	v23 =	vld.idx.msk [tilespmem:v12+s2+$0x0], $0xffff  }
0xc3: {  	[tilespmem:s13+$0xFFFFF400] =	vst v24;
	v24 =	vld.idx.msk [tilespmem:v30+s2+$0x0], $0xffff  }
0xc4: {  	v25 =	vadd.s32 $0xE00, v44  }
0xc5: {  	v26 =	vld.idx.msk [tilespmem:v28+s2+$0x0], $0xffff  }
0xc6: {  	v5 =	vadd.s32 $0xA00, v29;
	[tilespmem:s12+$0x1400] =	vst v1;
	v1 =	vld [tilespmem:$0x1FF90]  }
0xc7: {  	[tilespmem:s12+$0x1420] =	vst v23  }
0xc8: {  	[tilespmem:s13+$0xFFFFF820] =	vst v24  }
0xc9: {  	v24 =	vld.idx.msk [tilespmem:v25+s2+$0x0], $0xffff  }
0xca: {  	v25 =	vld [tilespmem:$0x1FFB0]  }
0xcb: {  	v62 =	vadd.s32 $0x1E00, v0;
	v0 =	vmov v29;
	v5 =	vld.idx.msk [tilespmem:v5+s2+$0x0], $0xffff  }
0xcc: {  	v29 =	vadd.s32 $0xC00, v0;
	_ =	sdelay $0x1  }
0xcd: {  	[tilespmem:$0x1FFE0] =	vst v31;
	v1 =	vld.idx.msk [tilespmem:v1+s2+$0x0], $0xffff  }
0xce: {  	v31 =	vadd.s32 $0x1800, v44;
	[tilespmem:s12+$0x1830] =	vst v61  }
0xcf: {  	v3 =	vadd.s32 $0x1A00, v35;
	v11 =	vmov v31;
	v31 =	vld.idx.msk [tilespmem:v62+s2+$0x0], $0xffff;
	[tilespmem:s13+$0xFFFFF430] =	vst v5  }
0xd0: {  	v6 =	vmov v3;
	v3 =	vld.idx.msk [tilespmem:v29+s2+$0x0], $0xffff;
	[tilespmem:s13+$0xFFFFF800] =	vst v26  }
0xd1: {  	v29 =	vld.idx.msk [tilespmem:v25+s2+$0x0], $0xffff  }
0xd2: {  	[tilespmem:s12+$0x1800] =	vst v1;
	v1 =	vld [tilespmem:$0x1FFC0];
	_ =	sdelay $0x1  }
0xd3: {  	[tilespmem:s12+$0x1410] =	vst v2;
	v2 =	vld [tilespmem:$0x1FFA0];
	_ =	sdelay $0x3  }
0xd4: {  	v27 =	vadd.s32 $0xE00, v34;
	_ =	sdelay $0x1  }
0xd5: {  	v26 =	vld.idx.msk [tilespmem:v1+s2+$0x0], $0xffff  }
0xd6: {  	v1 =	vld [tilespmem:$0x1FFD0]  }
0xd7: {  	v2 =	vld.idx.msk [tilespmem:v2+s2+$0x0], $0xffff;
	[tilespmem:s13+$0xFFFFF810] =	vst v4  }
0xd8: {  	v4 =	vld.idx.msk [tilespmem:v27+s2+$0x0], $0xffff;
	_ =	sdelay $0x3  }
0xd9: {  	[tilespmem:s12+$0x1810] =	vst v2  }
0xda: {  	v25 =	vld.idx.msk [tilespmem:v33+s2+$0x0], $0xffff;
	[tilespmem:s13+$0xFFFFFC10] =	vst v4  }
0xdb: {  	v28 =	vld.idx.msk [tilespmem:v1+s2+$0x0], $0xffff  }
0xdc: {  	v1 =	vld [tilespmem:$0x1FFE0]  }
0xdd: {  	v23 =	vld.idx.msk [tilespmem:v8+s2+$0x0], $0xffff;
	_ =	sdelay $0x3  }
0xde: {  	v5 =	vadd.s32 $0xE00, v0  }
0xdf: {  	[tilespmem:s12+$0x1820] =	vst v23  }
0xe0: {  	[tilespmem:s13+$0xFFFFFC20] =	vst v24  }
0xe1: {  	[tilespmem:s12+$0x1C30] =	vst v31;
	v24 =	vld.idx.msk [tilespmem:v1+s2+$0x0], $0xffff  }
0xe2: {  	v63 =	vadd.s32 $0x1800, v34;
	[tilespmem:s13+$0xFFFFF830] =	vst v3;
	v1 =	vld [tilespmem:$0x1FFF0]  }
0xe3: {  	v32 =	vadd.s32 $0x1A00, v44;
	v20 =	vadd.s32 $0x1000, v35;
	v18 =	vadd.s32 $0x1200, v35;
	v3 =	vld.idx.msk [tilespmem:v5+s2+$0x0], $0xffff  }
0xe4: {  	s14 =	sadd.s32 $0x4, s14;
	v22 =	vadd.s32 $0x1200, v34;
	v19 =	vadd.s32 $0x1400, v34;
	v5 =	vadd.s32 $0x1000, v0  }
0xe5: {  	p0 =	slt.u32 s14, $0x3C;
	v21 =	vadd.s32 $0x1200, v44;
	v54 =	vadd.s32 $0x1600, v44;
	v42 =	vadd.s32 $0x1C00, v34  }
.Ltmp0:
0xe6: {  	v52 =	vadd.s32 $0x1600, v35;
	v55 =	vadd.s32 $0x1800, v35;
	v37 =	vadd.s32 $0x1E00, v35;
	(pc) =	sbr.rel @p0 .LBB2_2-.Ltmp0, $4  }
0xe7: {  	v39 =	vadd.s32 $0x1C00, v44;
	v43 =	vadd.s32 $0x1C00, v35;
	v53 =	vadd.s32 $0x1600, v34  }
0xe8: {  	v35 =	vadd.s32 $0x1E00, v34;
	v34 =	vadd.s32 $0x1E00, v44;
	v13 =	vmovc v52;
	v14 =	vmovc v53;
	v15 =	vmov v54;
	[tilespmem:s13+$0xFFFFFC30] =	vst v3  }
0xe9: {  	v9 =	vmovc v55;
	v10 =	vmovc v63;
	v40 =	vmov v43;
	v38 =	vmov v42;
	v36 =	vmov v37;
	v27 =	vld.idx.msk [tilespmem:v5+s2+$0x0], $0xffff  }
0xea: {  	s15 =	sadd.s32 $0x40, s15;
	v12 =	vmovc v32;
	v30 =	vadd.s32 $0x1200, v0;
	v31 =	vmovc v34;
	v8 =	vmov v39;
	v33 =	vmov v35;
	[tilespmem:s13+$0xFFFFFC00] =	vst v29;
	v23 =	vld.idx.msk [tilespmem:v1+s2+$0x0], $0xffff  }
0xeb: {  	_ =	sdelay $0x3  }
0xec: {  	v1 =	vld.idx.msk [tilespmem:v20+s2+$0x0], $0xffff;
	_ =	sdelay $0x1  }
0xed: {  	[tilespmem:s13+$0x10] =	vst v28  }
0xee: {  	v4 =	vld.idx.msk [tilespmem:v22+s2+$0x0], $0xffff;
	[tilespmem:s13+$0x30] =	vst v27  }
0xef: {  	v2 =	vld.idx.msk [tilespmem:v30+s2+$0x0], $0xffff;
	[tilespmem:s13+$0x20] =	vst v23  }
0xf0: {  	v52 =	vadd.s32 $0x1400, v0;
	[tilespmem:s13+$0x0] =	vst v1;
	v5 =	vld.idx.msk [tilespmem:v21+s2+$0x0], $0xffff  }
0xf1: {  	v3 =	vld.idx.msk [tilespmem:v18+s2+$0x0], $0xffff;
	_ =	sdelay $0x1  }
0xf2: {  	[tilespmem:s13+$0x410] =	vst v4  }
0xf3: {  	v4 =	vld.idx.msk [tilespmem:v19+s2+$0x0], $0xffff;
	[tilespmem:s13+$0x430] =	vst v2  }
0xf4: {  	v1 =	vld.idx.msk [tilespmem:v52+s2+$0x0], $0xffff;
	[tilespmem:s13+$0x420] =	vst v5  }
0xf5: {  	v53 =	vadd.s32 $0x1600, v0;
	[tilespmem:s13+$0x400] =	vst v3;
	v5 =	vld.idx.msk [tilespmem:v17+s2+$0x0], $0xffff  }
0xf6: {  	v3 =	vld.idx.msk [tilespmem:v16+s2+$0x0], $0xffff;
	_ =	sdelay $0x1  }
0xf7: {  	[tilespmem:s13+$0x810] =	vst v4  }
0xf8: {  	v4 =	vld.idx.msk [tilespmem:v14+s2+$0x0], $0xffff;
	[tilespmem:s13+$0x830] =	vst v1  }
0xf9: {  	v1 =	vld.idx.msk [tilespmem:v53+s2+$0x0], $0xffff;
	[tilespmem:s13+$0x820] =	vst v5  }
0xfa: {  	v54 =	vadd.s32 $0x1800, v0;
	[tilespmem:s13+$0x800] =	vst v3;
	v5 =	vld.idx.msk [tilespmem:v15+s2+$0x0], $0xffff  }
0xfb: {  	v3 =	vld.idx.msk [tilespmem:v13+s2+$0x0], $0xffff;
	_ =	sdelay $0x1  }
0xfc: {  	[tilespmem:s13+$0xC10] =	vst v4  }
0xfd: {  	v4 =	vld.idx.msk [tilespmem:v10+s2+$0x0], $0xffff;
	[tilespmem:s13+$0xC30] =	vst v1  }
0xfe: {  	v1 =	vld.idx.msk [tilespmem:v54+s2+$0x0], $0xffff;
	[tilespmem:s13+$0xC20] =	vst v5  }
0xff: {  	v55 =	vadd.s32 $0x1A00, v0;
	[tilespmem:s13+$0xC00] =	vst v3;
	v5 =	vld.idx.msk [tilespmem:v11+s2+$0x0], $0xffff  }
0x100: {  	v3 =	vld.idx.msk [tilespmem:v9+s2+$0x0], $0xffff;
	_ =	sdelay $0x1  }
0x101: {  	[tilespmem:s13+$0x1010] =	vst v4  }
0x102: {  	v4 =	vld.idx.msk [tilespmem:v7+s2+$0x0], $0xffff;
	[tilespmem:s13+$0x1030] =	vst v1  }
0x103: {  	v1 =	vld.idx.msk [tilespmem:v55+s2+$0x0], $0xffff;
	[tilespmem:s13+$0x1020] =	vst v5  }
0x104: {  	v56 =	vadd.s32 $0x1C00, v0;
	[tilespmem:s13+$0x1000] =	vst v3;
	v5 =	vld.idx.msk [tilespmem:v12+s2+$0x0], $0xffff  }
0x105: {  	v3 =	vld.idx.msk [tilespmem:v6+s2+$0x0], $0xffff;
	_ =	sdelay $0x1  }
0x106: {  	[tilespmem:s13+$0x1410] =	vst v4  }
0x107: {  	v59 =	vld.idx.msk [tilespmem:v38+s2+$0x0], $0xffff;
	[tilespmem:s13+$0x1430] =	vst v1  }
0x108: {  	v1 =	vld.idx.msk [tilespmem:v56+s2+$0x0], $0xffff;
	[tilespmem:s13+$0x1420] =	vst v5  }
0x109: {  	v57 =	vadd.s32 $0x1E00, v0;
	[tilespmem:s13+$0x1400] =	vst v3;
	v60 =	vld.idx.msk [tilespmem:v8+s2+$0x0], $0xffff  }
0x10a: {  	v58 =	vld.idx.msk [tilespmem:v40+s2+$0x0], $0xffff  }
0x10b: {  	[tilespmem:s12+$0x1C00] =	vst v26  }
0x10c: {  	[tilespmem:s13+$0x1810] =	vst v59  }
0x10d: {  	v62 =	vld.idx.msk [tilespmem:v33+s2+$0x0], $0xffff;
	[tilespmem:s13+$0x1830] =	vst v1  }
0x10e: {  	v0 =	vld.idx.msk [tilespmem:v57+s2+$0x0], $0xffff;
	[tilespmem:s13+$0x1820] =	vst v60  }
0x10f: {  	[tilespmem:s13+$0x1800] =	vst v58;
	v63 =	vld.idx.msk [tilespmem:v31+s2+$0x0], $0xffff  }
0x110: {  	[tilespmem:s12+$0x1C10] =	vst v25;
	v61 =	vld.idx.msk [tilespmem:v36+s2+$0x0], $0xffff  }
0x111: {  	[tilespmem:s12+$0x1C20] =	vst v24  }
0x112: {  	[tilespmem:s13+$0x1C10] =	vst v62  }
0x113: {  	s11 =	sadd.s32 $0x1, s11;
	[tilespmem:s13+$0x1C30] =	vst v0  }
0x114: {  	p0 =	sne.s32 s11, s6;
	[tilespmem:s13+$0x1C20] =	vst v63  }
.Ltmp1:
0x115: {  	[tilespmem:s13+$0x1C00] =	vst v61;
	(pc) =	sbr.rel @p0 .LBB2_1-.Ltmp1, $4  }
0x116: {  	[hbm4b:s5+s2] =	stream.linear.scatter [tilespmem:s9], [sflag:$0x1], $0x4000, $0x38;
	[tilespmem:$0xC000] =	vst v63  }
0x117: {  	_ =	swait.ge [sflag:s10], $0x4000  }
0x118: {  	[sflag:s10] =	ssyncset.done $0x0  }
0x119: {  	[sflag:s10] =	ssyncadd.s32 $0xFFFFC000  }
0x11a: {  	_ =	sfence.sel $0x180000  }
0x11b: {  	[bflag:$0x0] =	sbarrier.arrive $0xFFFF  }
0x11c: {  	p0 =	sne.s32 s1, $0x0;
	_ =	strace $0x90000047  }
0x11d: {  	s0 =	sadd.s32 @!p0 $0x100000, s0;
	[bflag:$0x2] =	sbarrier.arrive $0xFFFF  }
0x11e: {  	[sflag:s0] =	ssyncadd.tile.s32 @!p0 $0x1;
	_ =	shalt  }
.Lfunc_end2:
_tile_overlayer_lowered:
.L_overlay_start_2:
0x11f: {  	(tag) =	ssettag $0x2  }
0x120: {  	s0 =	rddreg [dreg:$0x0];
	s2 =	stileid.u32  }
0x121: {  	s1 =	rddreg [dreg:$0x1];
	p0 =	sne.s32 s2, $0x0  }
0x122: {  	s3 =	rddreg [dreg:$0x2];
	[bflag:$0x3] =	sbarrier.arrive $0xFFFF;
	s2 =	simm.s32 @!p0 $0x1C02  }
0x123: {  	[timem:s3], [sflag:s2] =	dma.local @!p0 [hbm:s0], s1  }
0x124: {  	s0 =	simm.s32 @!p0 $0x2  }
0x125: {  	_ =	swait.ge @!p0 [sflag:s0], s1  }
0x126: {  	s1 =	ssub.s32 @!p0 $0x0, s1;
	[sflag:s0] =	ssyncset.done @!p0 $0x0  }
0x127: {  	[sflag:s0] =	ssyncadd.s32 @!p0 s1  }
0x128: {  	[bflag:$0x3] =	sbarrier.arrive $0xFFFF  }
0x129: {  	_ =	shalt  }

</sc_bundles>
